<compile_context>
chip_gen: v7x
topology: tpu7x:2x2x1
jax: 0.10.2.dev20260603
libtpu: 0.0.44.dev20260713+nightly
codegen_flags: <defaults>
</compile_context>

<pallas_src>
import jax
import jax.numpy as jnp
from jax import lax
from jax.experimental import pallas as pl
from jax.experimental.pallas import tpu as pltpu
from jax.experimental.pallas import tpu_sc as plsc

N_BUS, N_LINE, N_LOAD, N_GEN = 30720, 40960, 20480, 6144
N = N_BUS + N_LINE + N_LOAD + N_GEN
E = 1572864
NUM_GRAPHS = 1024
EMBED = 16
GEN0 = N - N_GEN

NC, NS = 2, 16
NW = NC * NS
EPW = E // NW
CH = 8192
NCH = EPW // CH
BATCH = 128
UN = 8
STAGE = 272
TRASH = 256
DUMMY = N_GEN
TBL = 6400
RPT = TBL // NS

PACK = 8
R_BUS, R_LINE, R_LOAD, R_GEN = (N_BUS // PACK, N_LINE // PACK,
                                N_LOAD // PACK, N_GEN // PACK)
RN = N // PACK
RGEN0 = GEN0 // PACK
BLKR = 128
G_BUS, G_LINE, G_LOAD, G_GEN = (R_BUS // BLKR, R_LINE // BLKR,
                                R_LOAD // BLKR, R_GEN // BLKR)
GRID = G_BUS + G_LINE + G_LOAD + G_GEN



def _embed_body_whole(xb, xl, xd, xg, wb, wl, wd, wg, bb, bl, bd, bg, h_ref):
    dn = (((1,), (0,)), ((), ()))
    r0, r1, r2 = R_BUS, R_BUS + R_LINE, R_BUS + R_LINE + R_LOAD
    h_ref[0:r0, :] = lax.dot_general(xb[...], wb[...], dn) + bb[...]
    h_ref[r0:r1, :] = lax.dot_general(xl[...], wl[...], dn) + bl[...]
    h_ref[r1:r2, :] = lax.dot_general(xd[...], wd[...], dn) + bd[...]
    h_ref[r2:RN, :] = lax.dot_general(xg[...], wg[...], dn) + bg[...]


_embed = pl.pallas_call(
    _embed_body_whole,
    out_shape=jax.ShapeDtypeStruct((RN, 128), jnp.float32),
)



def _edge_body(h_hbm, ei_hbm, s_out, c_out,
               src_buf, dst_buf, gsrc_stage, gdst_stage, gsrc_fire, gdst_fire,
               rows_v, ones_v, zbuf, s_sh, c_sh, sem):
    c = lax.axis_index("c")
    s = lax.axis_index("s")
    wid = s * NC + c

    zero16f = jnp.zeros((16,), jnp.float32)
    one16f = jnp.ones((16,), jnp.float32)

    def _init_z(i, carry):
        zbuf[i, :] = zero16f
        return carry

    lax.fori_loop(0, RPT, _init_z, 0)

    def _init_o(i, carry):
        ones_v[i, :] = one16f
        return carry

    lax.fori_loop(0, BATCH, _init_o, 0)

    pltpu.sync_copy(zbuf, s_sh.at[pl.ds(s * RPT, RPT), :])
    pltpu.sync_copy(zbuf, c_sh.at[pl.ds(s * RPT, RPT), :])
    plsc.subcore_barrier()

    def _fire():
        for t in range(BATCH // 16):
            gsrc_fire[pl.ds(t * 16, 16)] = gsrc_stage[pl.ds(t * 16, 16)]
            gdst_fire[pl.ds(t * 16, 16)] = gdst_stage[pl.ds(t * 16, 16)]
        pltpu.async_copy(h_hbm.at[gsrc_fire], rows_v, sem).wait()
        pltpu.sync_copy(rows_v, s_sh.at[gdst_fire], add=True)
        pltpu.sync_copy(ones_v, c_sh.at[gdst_fire], add=True)

    def _chunk(j, off):
        ebase = wid * EPW + j * CH
        pltpu.sync_copy(ei_hbm.at[0, pl.ds(ebase, CH)], src_buf)
        pltpu.sync_copy(ei_hbm.at[1, pl.ds(ebase, CH)], dst_buf)

        def _step(i, off):
            offs = off
            for u in range(UN):
                d = dst_buf[pl.ds((i * UN + u) * 16, 16)]
                sv = src_buf[pl.ds((i * UN + u) * 16, 16)]
                m = d >= GEN0
                mi = jnp.where(m, 1, 0)
                cum = plsc.cumsum(mi)
                pos = offs + cum - mi
                idx = jnp.where(m, pos, TRASH)
                plsc.store_scatter(gdst_stage, [idx], d - GEN0)
                plsc.store_scatter(gsrc_stage, [idx], sv)
                offs = offs + cum[15]
            fired = offs >= BATCH

            @pl.when(fired)
            def _():
                _fire()
                for t in range(UN):
                    r1 = gsrc_stage[pl.ds(BATCH + t * 16, 16)]
                    gsrc_stage[pl.ds(t * 16, 16)] = r1
                    r2 = gdst_stage[pl.ds(BATCH + t * 16, 16)]
                    gdst_stage[pl.ds(t * 16, 16)] = r2

            return jnp.where(fired, offs - BATCH, offs)

        return lax.fori_loop(0, CH // (16 * UN), _step, off)

    off = lax.fori_loop(0, NCH, _chunk, jnp.int32(0))

    sent_src = jnp.zeros((16,), jnp.int32)
    sent_dst = jnp.full((16,), DUMMY, jnp.int32)
    for t in range(BATCH // 16):
        pos = off + t * 16

        @pl.when(pos < BATCH)
        def _():
            gsrc_stage[pl.ds(pos, 16)] = sent_src
            gdst_stage[pl.ds(pos, 16)] = sent_dst

    _fire()

    plsc.subcore_barrier()
    pltpu.sync_copy(s_sh.at[pl.ds(s * RPT, RPT), :], s_out.at[c, pl.ds(s * RPT, RPT), :])
    pltpu.sync_copy(c_sh.at[pl.ds(s * RPT, RPT), :], c_out.at[c, pl.ds(s * RPT, RPT), :])


_edge = pl.kernel(
    _edge_body,
    out_type=(
        jax.ShapeDtypeStruct((NC, TBL, EMBED), jnp.float32),
        jax.ShapeDtypeStruct((NC, TBL, EMBED), jnp.float32),
    ),
    mesh=plsc.VectorSubcoreMesh(
        core_axis_name="c", subcore_axis_name="s", num_cores=NC, num_subcores=NS
    ),
    compiler_params=pltpu.CompilerParams(
        needs_layout_passes=False, use_tc_tiling_on_sc=False),
    scratch_types=[
        pltpu.VMEM((CH,), jnp.int32),
        pltpu.VMEM((CH,), jnp.int32),
        pltpu.VMEM((STAGE,), jnp.int32),
        pltpu.VMEM((STAGE,), jnp.int32),
        pltpu.VMEM((BATCH,), jnp.int32),
        pltpu.VMEM((BATCH,), jnp.int32),
        pltpu.VMEM((BATCH, EMBED), jnp.float32),
        pltpu.VMEM((BATCH, EMBED), jnp.float32),
        pltpu.VMEM((RPT, EMBED), jnp.float32),
        pltpu.VMEM_SHARED((TBL, EMBED), jnp.float32),
        pltpu.VMEM_SHARED((TBL, EMBED), jnp.float32),
        pltpu.SemaphoreType.DMA,
    ],
)



RTBL = TBL * EMBED // 128
RG = N_GEN // PACK


def _epi_body(s2, c2, hg, kab, kb, kf1, kf2, wv1, wv2, seg, bc, bf,
              act_ref, p_ref):
    dn = (((1,), (0,)), ((), ()))
    ssum = s2[0, 0:RG, :] + s2[1, 0:RG, :]
    cnt = c2[0, 0:RG, :] + c2[1, 0:RG, :]
    mean = ssum / jnp.maximum(cnt, 1.0)
    hgv = hg[...]
    base = lax.dot_general(hgv, kab[...], dn) + bc[...]
    conv = jnp.where(cnt > 0.0, base, 0.0) + lax.dot_general(mean, kb[...], dn)
    h2 = jnp.maximum(conv, 0.0)
    act = (lax.dot_general(h2, kf1[...], dn)
           + lax.dot_general(hgv, kf2[...], dn) + bf[...])
    lane = lax.broadcasted_iota(jnp.int32, (RG, 2 * PACK), 1)
    sp = jnp.maximum(act, 0.0) + jnp.log1p(jnp.exp(-jnp.abs(act)))
    act_ref[...] = jnp.where(lane % 2 == 1, sp, act)
    t = h2 * wv1[...] + hgv * wv2[...]
    p_ref[...] = lax.dot_general(t, seg[...], dn)


_epi = pl.pallas_call(
    _epi_body,
    out_shape=(
        jax.ShapeDtypeStruct((RG, 2 * PACK), jnp.float32),
        jax.ShapeDtypeStruct((RG, PACK), jnp.float32),
    ),
)


def kernel(x_bus, x_line, x_load, x_gen, edge_index,
           W_bus, b_bus, W_line, b_line, W_load, b_load, W_gen, b_gen,
           W_conv, b_conv, W_final, b_final, W_val, b_val):
    eye8 = jnp.eye(PACK, dtype=jnp.float32)
    h_p = _embed(
        x_bus.reshape(R_BUS, PACK * 32), x_line.reshape(R_LINE, PACK * 16),
        x_load.reshape(R_LOAD, PACK * 16), x_gen.reshape(R_GEN, PACK * 8),
        jnp.kron(eye8, W_bus.T), jnp.kron(eye8, W_line.T),
        jnp.kron(eye8, W_load.T), jnp.kron(eye8, W_gen.T),
        jnp.tile(b_bus, PACK).reshape(1, -1), jnp.tile(b_line, PACK).reshape(1, -1),
        jnp.tile(b_load, PACK).reshape(1, -1), jnp.tile(b_gen, PACK).reshape(1, -1))
    h = h_p.reshape(N, EMBED)

    s2, c2 = _edge(h, edge_index)

    a_mat = W_conv[:, :EMBED]
    b_mat = W_conv[:, EMBED:]
    wf1 = W_final[:, :EMBED]
    wf2 = W_final[:, EMBED:]
    wv6 = W_val.reshape(N_GEN // NUM_GRAPHS, 2 * EMBED)
    wv1_p = jnp.tile(wv6[:, :EMBED], (NUM_GRAPHS, 1)).reshape(RG, 128)
    wv2_p = jnp.tile(wv6[:, EMBED:], (NUM_GRAPHS, 1)).reshape(RG, 128)
    seg = jnp.kron(eye8, jnp.ones((EMBED, 1), jnp.float32))

    act_p, p_p = _epi(
        s2.reshape(NC, RTBL, 128), c2.reshape(NC, RTBL, 128),
        h_p[RGEN0:, :],
        jnp.kron(eye8, (a_mat - b_mat).T), jnp.kron(eye8, b_mat.T),
        jnp.kron(eye8, wf1.T), jnp.kron(eye8, wf2.T),
        wv1_p, wv2_p, seg,
        jnp.tile(b_conv, PACK).reshape(1, -1),
        jnp.tile(b_final, PACK).reshape(1, -1))

    act = act_p.reshape(N_GEN, 2)
    action_mean = act[:, 0].reshape(NUM_GRAPHS, -1)
    action_std = act[:, 1].reshape(NUM_GRAPHS, -1)
    value = p_p.reshape(NUM_GRAPHS, -1).sum(axis=1, keepdims=True) + b_val
    return (action_mean, action_std, value)

# --- scband reference (transcript-rebuilt; emitter-appended) ---
"""Pipeline reference for scband-actor-critic-3023656976988 (READ-ONLY COPY).

The authoritative reference and input builder live on the scoring server;
editing this copy changes nothing except your own understanding.
"""

import jax, jax.numpy as jnp
import numpy as np

N_BUS, N_LINE, N_LOAD, N_GEN = 30720, 40960, 20480, 6144
N = N_BUS + N_LINE + N_LOAD + N_GEN
E = 1572864
NUM_GRAPHS = 1024
EMBED = 16


def setup_inputs(seed: int = 0) -> dict:
    key = jax.random.key(seed)
    ks = jax.random.split(key, 16)
    inp = {}
    inp["x_bus"] = jax.random.normal(ks[0], (N_BUS, 32), dtype=jnp.float32)
    inp["x_line"] = jax.random.normal(ks[1], (N_LINE, 16), dtype=jnp.float32)
    inp["x_load"] = jax.random.normal(ks[2], (N_LOAD, 16), dtype=jnp.float32)
    inp["x_gen"] = jax.random.normal(ks[3], (N_GEN, 8), dtype=jnp.float32)
    inp["edge_index"] = jax.random.randint(ks[4], (2, E), 0, N, dtype=jnp.int32)
    # learned parameters (normc-style init approximated with scaled normals)
    inp["W_bus"] = jax.random.normal(ks[5], (EMBED, 32), dtype=jnp.float32) * 0.1
    inp["b_bus"] = jnp.zeros((EMBED,), dtype=jnp.float32)
    inp["W_line"] = jax.random.normal(ks[6], (EMBED, 16), dtype=jnp.float32) * 0.1
    inp["b_line"] = jnp.zeros((EMBED,), dtype=jnp.float32)
    inp["W_load"] = jax.random.normal(ks[7], (EMBED, 16), dtype=jnp.float32) * 0.1
    inp["b_load"] = jnp.zeros((EMBED,), dtype=jnp.float32)
    inp["W_gen"] = jax.random.normal(ks[8], (EMBED, 8), dtype=jnp.float32) * 0.1
    inp["b_gen"] = jnp.zeros((EMBED,), dtype=jnp.float32)
    inp["W_conv"] = jax.random.normal(ks[9], (EMBED, 2 * EMBED), dtype=jnp.float32) * 0.1
    inp["b_conv"] = jnp.zeros((EMBED,), dtype=jnp.float32)
    inp["W_final"] = jax.random.normal(ks[10], (2, 2 * EMBED), dtype=jnp.float32) * 0.001
    inp["b_final"] = jnp.zeros((2,), dtype=jnp.float32)
    inp["W_val"] = jax.random.normal(ks[11], (1, 2 * 6 * EMBED), dtype=jnp.float32) * 0.001
    inp["b_val"] = jnp.zeros((1,), dtype=jnp.float32)
    return inp


def reference(x_bus, x_line, x_load, x_gen, edge_index,
              W_bus, b_bus, W_line, b_line, W_load, b_load, W_gen, b_gen,
              W_conv, b_conv, W_final, b_final, W_val, b_val):
    # per-node-type embedders (nn.Linear)
    h = jnp.concatenate([
        x_bus @ W_bus.T + b_bus,
        x_line @ W_line.T + b_line,
        x_load @ W_load.T + b_load,
        x_gen @ W_gen.T + b_gen,
    ], axis=0)  # [N, EMBED], homogeneous node order: bus, line, load, gen (gen == node_type 3)
    gen_start = N - N_GEN
    skip_connection = h[gen_start:]
    # EdgeConv(nn=Linear(2*EMBED -> EMBED), aggr='mean'):
    # message m_ij = nn(cat[x_i, x_j - x_i]) aggregated with mean at target i
    src = edge_index[0]
    dst = edge_index[1]
    x_i = h[dst]
    x_j = h[src]
    msg = jnp.concatenate([x_i, x_j - x_i], axis=1) @ W_conv.T + b_conv  # [E, EMBED]
    agg = jax.ops.segment_sum(msg, dst, num_segments=N)
    cnt = jax.ops.segment_sum(jnp.ones((E,), dtype=jnp.float32), dst, num_segments=N)
    conv_out = agg / jnp.clip(cnt, 1.0)[:, None]
    h2 = jax.nn.relu(conv_out)
    gen_embeddings = jnp.concatenate([h2[gen_start:], skip_connection], axis=1)  # [N_GEN, 2*EMBED]
    value = gen_embeddings.reshape(NUM_GRAPHS, -1) @ W_val.T + b_val  # [NUM_GRAPHS, 1]
    action = gen_embeddings @ W_final.T + b_final  # [N_GEN, 2]
    action_mean = action[:, 0].reshape(NUM_GRAPHS, -1)
    action_std = jax.nn.softplus(action[:, 1]).reshape(NUM_GRAPHS, -1)
    return (action_mean, action_std, value)

if __name__ == "__main__":
    import jax
    _d = setup_inputs()
    print(jax.jit(kernel)(*tuple(_d.values())))

</pallas_src>

<mosaic_0001>
#map = affine_map<(d0, d1) -> (0, 0)>
#map1 = affine_map<(d0, d1) -> (0, 0, 0)>
module attributes {stable_mosaic.version = 14 : i64} {
  func.func @_edge_body(%arg0: i32, %arg1: i32, %arg2: memref<98304x16xf32, #tpu.memory_space<hbm>>, %arg3: memref<2x1572864xi32, #tpu.memory_space<hbm>>, %arg4: memref<2x6400x16xf32, #tpu.memory_space<hbm>>, %arg5: memref<2x6400x16xf32, #tpu.memory_space<hbm>>, %arg6: memref<8192xi32, #tpu.memory_space<vmem>>, %arg7: memref<8192xi32, #tpu.memory_space<vmem>>, %arg8: memref<272xi32, #tpu.memory_space<vmem>>, %arg9: memref<272xi32, #tpu.memory_space<vmem>>, %arg10: memref<128xi32, #tpu.memory_space<vmem>>, %arg11: memref<128xi32, #tpu.memory_space<vmem>>, %arg12: memref<128x16xf32, #tpu.memory_space<vmem>>, %arg13: memref<128x16xf32, #tpu.memory_space<vmem>>, %arg14: memref<400x16xf32, #tpu.memory_space<vmem>>, %arg15: memref<6400x16xf32, #tpu.memory_space<vmem_shared>>, %arg16: memref<6400x16xf32, #tpu.memory_space<vmem_shared>>, %arg17: memref<!tpu.dma_semaphore, #tpu.memory_space<semaphore_mem>>) attributes {dimension_semantics = [#tpu.dimension_semantics<core_parallel>, #tpu.dimension_semantics<subcore_parallel>], iteration_bounds = array<i64: 2, 16>, scalar_prefetch = 0 : i64, scratch_operands = 12 : i64, tpu.core_type = #tpu.core_type<sc_vector_subcore>, window_params = [{transform_indices = #map}, {transform_indices = #map}, {transform_indices = #map1}, {transform_indices = #map1}]} {
    %mul3A = arith.constant 2 : i32
    %mul3A_0 = arith.muli %arg1, %mul3A : i32
    %add3A = arith.addi %mul3A_0, %arg0 : i32
    %broadcast_in_dim3A = arith.constant 0.000000e+00 : f32
    %broadcast_in_dim3A_1 = vector.broadcast %broadcast_in_dim3A : f32 to vector<16xf32>
    %broadcast_in_dim3A_2 = arith.constant 1.000000e+00 : f32
    %broadcast_in_dim3A_3 = vector.broadcast %broadcast_in_dim3A_2 : f32 to vector<16xf32>
    %scan3A = arith.constant 0 : i32
    %scan3A_4 = arith.constant 0 : i32
    %scan3A_5 = arith.constant 400 : i32
    %scan3A_6 = arith.addi %scan3A_4, %scan3A_5 : i32
    %scan3A_7 = arith.constant 1 : i32
    scf.for %scan3A_158 = %scan3A_4 to %scan3A_6 step %scan3A_7  : i32 {
      %swap3A_159 = arith.index_cast %scan3A_158 : i32 to index
      %swap3A_160 = arith.constant 0 : index
      %swap3A_161 = tpu.vector_load %arg14[%swap3A_159, %swap3A_160] {strides = array<i32>} : memref<400x16xf32, #tpu.memory_space<vmem>>, vector<16xf32>,
      tpu.vector_store %arg14[%swap3A_159, %swap3A_160], %broadcast_in_dim3A_1 {strides = array<i32>} : memref<400x16xf32, #tpu.memory_space<vmem>>, vector<16xf32>,
    }
    %scan3A_8 = arith.constant 400 : i32
    %scan3A_9 = arith.constant 0 : i32
    %scan3A_10 = arith.constant 0 : i32
    %scan3A_11 = arith.constant 128 : i32
    %scan3A_12 = arith.addi %scan3A_10, %scan3A_11 : i32
    %scan3A_13 = arith.constant 1 : i32
    scf.for %scan3A_158 = %scan3A_10 to %scan3A_12 step %scan3A_13  : i32 {
      %swap3A_159 = arith.index_cast %scan3A_158 : i32 to index
      %swap3A_160 = arith.constant 0 : index
      %swap3A_161 = tpu.vector_load %arg13[%swap3A_159, %swap3A_160] {strides = array<i32>} : memref<128x16xf32, #tpu.memory_space<vmem>>, vector<16xf32>,
      tpu.vector_store %arg13[%swap3A_159, %swap3A_160], %broadcast_in_dim3A_3 {strides = array<i32>} : memref<128x16xf32, #tpu.memory_space<vmem>>, vector<16xf32>,
    }
    %scan3A_14 = arith.constant 128 : i32
    %mul3A_15 = arith.constant 400 : i32
    %mul3A_16 = arith.muli %arg1, %mul3A_15 : i32
    "tpu.region"() ({
      %run_scoped3A = tpu.sem_alloc : memref<!tpu.dma_semaphore, #tpu.memory_space<semaphore_mem>>
      %dma_start3A_158 = arith.constant 0 : i32
      %dma_start3A_159 = tpu.memref_slice %arg15[%mul3A_16, %dma_start3A_158] : memref<6400x16xf32, #tpu.memory_space<vmem_shared>> -> memref<400x16xf32, #tpu.memory_space<vmem_shared>>
      %dma_start3A_160 = arith.constant 0 : i32
      %dma_start3A_161 = tpu.memref_slice %arg15[%mul3A_16, %dma_start3A_160] : memref<6400x16xf32, #tpu.memory_space<vmem_shared>> -> memref<400x16xf32, #tpu.memory_space<vmem_shared>>
      tpu.enqueue_dma source(%arg14 : memref<400x16xf32, #tpu.memory_space<vmem>>) target(%dma_start3A_161 : memref<400x16xf32, #tpu.memory_space<vmem_shared>>) target_semaphore(%run_scoped3A : memref<!tpu.dma_semaphore, #tpu.memory_space<semaphore_mem>>)
      %dma_wait3A_162 = arith.constant 0 : i32
      %dma_wait3A_163 = tpu.memref_slice %arg15[%mul3A_16, %dma_wait3A_162] : memref<6400x16xf32, #tpu.memory_space<vmem_shared>> -> memref<400x16xf32, #tpu.memory_space<vmem_shared>>
      %dma_wait3A_164 = arith.constant 0 : i32
      %dma_wait3A_165 = tpu.memref_slice %arg15[%mul3A_16, %dma_wait3A_164] : memref<6400x16xf32, #tpu.memory_space<vmem_shared>> -> memref<400x16xf32, #tpu.memory_space<vmem_shared>>
      tpu.wait_dma2 semaphore(%run_scoped3A : memref<!tpu.dma_semaphore, #tpu.memory_space<semaphore_mem>>) src(%arg14 : memref<400x16xf32, #tpu.memory_space<vmem>>) dst(%dma_wait3A_165 : memref<400x16xf32, #tpu.memory_space<vmem_shared>>)
      tpu.yield
    }) : () -> ()
    %mul3A_17 = arith.constant 400 : i32
    %mul3A_18 = arith.muli %arg1, %mul3A_17 : i32
    "tpu.region"() ({
      %run_scoped3A = tpu.sem_alloc : memref<!tpu.dma_semaphore, #tpu.memory_space<semaphore_mem>>
      %dma_start3A_158 = arith.constant 0 : i32
      %dma_start3A_159 = tpu.memref_slice %arg16[%mul3A_18, %dma_start3A_158] : memref<6400x16xf32, #tpu.memory_space<vmem_shared>> -> memref<400x16xf32, #tpu.memory_space<vmem_shared>>
      %dma_start3A_160 = arith.constant 0 : i32
      %dma_start3A_161 = tpu.memref_slice %arg16[%mul3A_18, %dma_start3A_160] : memref<6400x16xf32, #tpu.memory_space<vmem_shared>> -> memref<400x16xf32, #tpu.memory_space<vmem_shared>>
      tpu.enqueue_dma source(%arg14 : memref<400x16xf32, #tpu.memory_space<vmem>>) target(%dma_start3A_161 : memref<400x16xf32, #tpu.memory_space<vmem_shared>>) target_semaphore(%run_scoped3A : memref<!tpu.dma_semaphore, #tpu.memory_space<semaphore_mem>>)
      %dma_wait3A_162 = arith.constant 0 : i32
      %dma_wait3A_163 = tpu.memref_slice %arg16[%mul3A_18, %dma_wait3A_162] : memref<6400x16xf32, #tpu.memory_space<vmem_shared>> -> memref<400x16xf32, #tpu.memory_space<vmem_shared>>
      %dma_wait3A_164 = arith.constant 0 : i32
      %dma_wait3A_165 = tpu.memref_slice %arg16[%mul3A_18, %dma_wait3A_164] : memref<6400x16xf32, #tpu.memory_space<vmem_shared>> -> memref<400x16xf32, #tpu.memory_space<vmem_shared>>
      tpu.wait_dma2 semaphore(%run_scoped3A : memref<!tpu.dma_semaphore, #tpu.memory_space<semaphore_mem>>) src(%arg14 : memref<400x16xf32, #tpu.memory_space<vmem>>) dst(%dma_wait3A_165 : memref<400x16xf32, #tpu.memory_space<vmem_shared>>)
      tpu.yield
    }) : () -> ()
    %barrier3A = arith.constant 0 : index
    tpu.barrier barrier_id(%barrier3A)
    %scan3A_19 = arith.constant 0 : i32
    %scan3A_20 = arith.constant 0 : i32
    %scan3A_21 = arith.constant 6 : i32
    %scan3A_22 = arith.addi %scan3A_20, %scan3A_21 : i32
    %scan3A_23 = arith.constant 1 : i32
    %scan3A_24 = scf.for %scan3A_158 = %scan3A_20 to %scan3A_22 step %scan3A_23 iter_args(%scan3A_159 = %scan3A_19) -> (i32)  : i32 {
      %mul3A_160 = arith.constant 49152 : i32
      %mul3A_161 = arith.muli %add3A, %mul3A_160 : i32
      %mul3A_162 = arith.constant 8192 : i32
      %mul3A_163 = arith.muli %scan3A_158, %mul3A_162 : i32
      %add3A_164 = arith.addi %mul3A_161, %mul3A_163 : i32
      %run_scoped3A = arith.constant 0 : i32
      "tpu.region"() ({
        %run_scoped3A_172 = tpu.sem_alloc : memref<!tpu.dma_semaphore, #tpu.memory_space<semaphore_mem>>
        %dma_start3A_173 = tpu.memref_slice %arg3[%run_scoped3A, %add3A_164] : memref<2x1572864xi32, #tpu.memory_space<hbm>> -> memref<1x8192xi32, #tpu.memory_space<hbm>>
        %dma_start3A_174 = tpu.memref_squeeze %dma_start3A_173 : memref<1x8192xi32, #tpu.memory_space<hbm>> -> memref<8192xi32, #tpu.memory_space<hbm>>
        %dma_start3A_175 = tpu.memref_slice %arg3[%run_scoped3A, %add3A_164] : memref<2x1572864xi32, #tpu.memory_space<hbm>> -> memref<1x8192xi32, #tpu.memory_space<hbm>>
        %dma_start3A_176 = tpu.memref_squeeze %dma_start3A_175 : memref<1x8192xi32, #tpu.memory_space<hbm>> -> memref<8192xi32, #tpu.memory_space<hbm>>
        tpu.enqueue_dma source(%dma_start3A_176 : memref<8192xi32, #tpu.memory_space<hbm>>) target(%arg6 : memref<8192xi32, #tpu.memory_space<vmem>>) target_semaphore(%run_scoped3A_172 : memref<!tpu.dma_semaphore, #tpu.memory_space<semaphore_mem>>)
        %dma_wait3A_177 = tpu.memref_slice %arg3[%run_scoped3A, %add3A_164] : memref<2x1572864xi32, #tpu.memory_space<hbm>> -> memref<1x8192xi32, #tpu.memory_space<hbm>>
        %dma_wait3A_178 = tpu.memref_squeeze %dma_wait3A_177 : memref<1x8192xi32, #tpu.memory_space<hbm>> -> memref<8192xi32, #tpu.memory_space<hbm>>
        %dma_wait3A_179 = tpu.memref_slice %arg3[%run_scoped3A, %add3A_164] : memref<2x1572864xi32, #tpu.memory_space<hbm>> -> memref<1x8192xi32, #tpu.memory_space<hbm>>
        %dma_wait3A_180 = tpu.memref_squeeze %dma_wait3A_179 : memref<1x8192xi32, #tpu.memory_space<hbm>> -> memref<8192xi32, #tpu.memory_space<hbm>>
        tpu.wait_dma2 semaphore(%run_scoped3A_172 : memref<!tpu.dma_semaphore, #tpu.memory_space<semaphore_mem>>) src(%dma_wait3A_180 : memref<8192xi32, #tpu.memory_space<hbm>>) dst(%arg6 : memref<8192xi32, #tpu.memory_space<vmem>>)
        tpu.yield
      }) : () -> ()
      %run_scoped3A_165 = arith.constant 1 : i32
      "tpu.region"() ({
        %run_scoped3A_172 = tpu.sem_alloc : memref<!tpu.dma_semaphore, #tpu.memory_space<semaphore_mem>>
        %dma_start3A_173 = tpu.memref_slice %arg3[%run_scoped3A_165, %add3A_164] : memref<2x1572864xi32, #tpu.memory_space<hbm>> -> memref<1x8192xi32, #tpu.memory_space<hbm>>
        %dma_start3A_174 = tpu.memref_squeeze %dma_start3A_173 : memref<1x8192xi32, #tpu.memory_space<hbm>> -> memref<8192xi32, #tpu.memory_space<hbm>>
        %dma_start3A_175 = tpu.memref_slice %arg3[%run_scoped3A_165, %add3A_164] : memref<2x1572864xi32, #tpu.memory_space<hbm>> -> memref<1x8192xi32, #tpu.memory_space<hbm>>
        %dma_start3A_176 = tpu.memref_squeeze %dma_start3A_175 : memref<1x8192xi32, #tpu.memory_space<hbm>> -> memref<8192xi32, #tpu.memory_space<hbm>>
        tpu.enqueue_dma source(%dma_start3A_176 : memref<8192xi32, #tpu.memory_space<hbm>>) target(%arg7 : memref<8192xi32, #tpu.memory_space<vmem>>) target_semaphore(%run_scoped3A_172 : memref<!tpu.dma_semaphore, #tpu.memory_space<semaphore_mem>>)
        %dma_wait3A_177 = tpu.memref_slice %arg3[%run_scoped3A_165, %add3A_164] : memref<2x1572864xi32, #tpu.memory_space<hbm>> -> memref<1x8192xi32, #tpu.memory_space<hbm>>
        %dma_wait3A_178 = tpu.memref_squeeze %dma_wait3A_177 : memref<1x8192xi32, #tpu.memory_space<hbm>> -> memref<8192xi32, #tpu.memory_space<hbm>>
        %dma_wait3A_179 = tpu.memref_slice %arg3[%run_scoped3A_165, %add3A_164] : memref<2x1572864xi32, #tpu.memory_space<hbm>> -> memref<1x8192xi32, #tpu.memory_space<hbm>>
        %dma_wait3A_180 = tpu.memref_squeeze %dma_wait3A_179 : memref<1x8192xi32, #tpu.memory_space<hbm>> -> memref<8192xi32, #tpu.memory_space<hbm>>
        tpu.wait_dma2 semaphore(%run_scoped3A_172 : memref<!tpu.dma_semaphore, #tpu.memory_space<semaphore_mem>>) src(%dma_wait3A_180 : memref<8192xi32, #tpu.memory_space<hbm>>) dst(%arg7 : memref<8192xi32, #tpu.memory_space<vmem>>)
        tpu.yield
      }) : () -> ()
      %scan3A_166 = arith.constant 0 : i32
      %scan3A_167 = arith.constant 64 : i32
      %scan3A_168 = arith.addi %scan3A_166, %scan3A_167 : i32
      %scan3A_169 = arith.constant 1 : i32
      %scan3A_170 = scf.for %scan3A_172 = %scan3A_166 to %scan3A_168 step %scan3A_169 iter_args(%scan3A_173 = %scan3A_159) -> (i32)  : i32 {
        %mul3A_174 = arith.constant 8 : i32
        %mul3A_175 = arith.muli %scan3A_172, %mul3A_174 : i32
        %add3A_176 = arith.constant 0 : i32
        %add3A_177 = arith.addi %mul3A_175, %add3A_176 : i32
        %mul3A_178 = arith.constant 16 : i32
        %mul3A_179 = arith.muli %add3A_177, %mul3A_178 : i32
        %get3A_180 = arith.index_cast %mul3A_179 : i32 to index
        %get3A_181 = tpu.vector_load %arg7[%get3A_180] {strides = array<i32>} : memref<8192xi32, #tpu.memory_space<vmem>>, vector<16xi32>,
        %mul3A_182 = arith.constant 8 : i32
        %mul3A_183 = arith.muli %scan3A_172, %mul3A_182 : i32
        %add3A_184 = arith.constant 0 : i32
        %add3A_185 = arith.addi %mul3A_183, %add3A_184 : i32
        %mul3A_186 = arith.constant 16 : i32
        %mul3A_187 = arith.muli %add3A_185, %mul3A_186 : i32
        %get3A_188 = arith.index_cast %mul3A_187 : i32 to index
        %get3A_189 = tpu.vector_load %arg6[%get3A_188] {strides = array<i32>} : memref<8192xi32, #tpu.memory_space<vmem>>, vector<16xi32>,
        %ge3A = arith.constant 92160 : i32
        %ge3A_190 = vector.broadcast %ge3A : i32 to vector<16xi32>
        %ge3A_191 = arith.cmpi sge, %get3A_181, %ge3A_190 : vector<16xi32>
        %jit3A = arith.constant 1 : i32
        %jit3A_192 = arith.constant 0 : i32
        %broadcast_in_dim3A_193 = vector.broadcast %jit3A : i32 to vector<16xi32>
        %broadcast_in_dim3A_194 = vector.broadcast %jit3A_192 : i32 to vector<16xi32>
        %select_n3A = arith.select %ge3A_191, %broadcast_in_dim3A_193, %broadcast_in_dim3A_194 : vector<16xi1>, vector<16xi32>
        %broadcast_in_dim3A_195 = arith.constant true
        %broadcast_in_dim3A_196 = vector.broadcast %broadcast_in_dim3A_195 : i1 to vector<16xi1>
        %masked_cumsum3A = tpu.scan <sum>, %select_n3A masked %broadcast_in_dim3A_196 : vector<16xi32>, vector<16xi1> -> vector<16xi32>
        %add3A_197 = vector.broadcast %scan3A_173 : i32 to vector<16xi32>
        %add3A_198 = arith.addi %add3A_197, %masked_cumsum3A : vector<16xi32>
        %sub3A = arith.subi %add3A_198, %select_n3A : vector<16xi32>
        %jit3A_199 = arith.constant 256 : i32
        %broadcast_in_dim3A_200 = vector.broadcast %jit3A_199 : i32 to vector<16xi32>
        %select_n3A_201 = arith.select %ge3A_191, %sub3A, %broadcast_in_dim3A_200 : vector<16xi1>, vector<16xi32>
        %sub3A_202 = arith.constant 92160 : i32
        %sub3A_203 = vector.broadcast %sub3A_202 : i32 to vector<16xi32>
        %sub3A_204 = arith.subi %get3A_181, %sub3A_203 : vector<16xi32>
        tpu.vector_store_idx %arg9[%select_n3A_201], %sub3A_204 : memref<272xi32, #tpu.memory_space<vmem>>[vector<16xi32>], vector<16xi32>,
        tpu.vector_store_idx %arg8[%select_n3A_201], %get3A_189 : memref<272xi32, #tpu.memory_space<vmem>>[vector<16xi32>], vector<16xi32>,
        %slice3A = vector.extract_strided_slice %masked_cumsum3A {offsets = [15], sizes = [1], strides = [1]} : vector<16xi32> to vector<1xi32>
        %squeeze3A = vector.extract %slice3A[0] : i32 from vector<1xi32>
        %add3A_205 = arith.addi %scan3A_173, %squeeze3A : i32
        %mul3A_206 = arith.constant 8 : i32
        %mul3A_207 = arith.muli %scan3A_172, %mul3A_206 : i32
        %add3A_208 = arith.constant 1 : i32
        %add3A_209 = arith.addi %mul3A_207, %add3A_208 : i32
        %mul3A_210 = arith.constant 16 : i32
        %mul3A_211 = arith.muli %add3A_209, %mul3A_210 : i32
        %get3A_212 = arith.index_cast %mul3A_211 : i32 to index
        %get3A_213 = tpu.vector_load %arg7[%get3A_212] {strides = array<i32>} : memref<8192xi32, #tpu.memory_space<vmem>>, vector<16xi32>,
        %mul3A_214 = arith.constant 8 : i32
        %mul3A_215 = arith.muli %scan3A_172, %mul3A_214 : i32
        %add3A_216 = arith.constant 1 : i32
        %add3A_217 = arith.addi %mul3A_215, %add3A_216 : i32
        %mul3A_218 = arith.constant 16 : i32
        %mul3A_219 = arith.muli %add3A_217, %mul3A_218 : i32
        %get3A_220 = arith.index_cast %mul3A_219 : i32 to index
        %get3A_221 = tpu.vector_load %arg6[%get3A_220] {strides = array<i32>} : memref<8192xi32, #tpu.memory_space<vmem>>, vector<16xi32>,
        %ge3A_222 = arith.constant 92160 : i32
        %ge3A_223 = vector.broadcast %ge3A_222 : i32 to vector<16xi32>
        %ge3A_224 = arith.cmpi sge, %get3A_213, %ge3A_223 : vector<16xi32>
        %jit3A_225 = arith.constant 1 : i32
        %jit3A_226 = arith.constant 0 : i32
        %broadcast_in_dim3A_227 = vector.broadcast %jit3A_225 : i32 to vector<16xi32>
        %broadcast_in_dim3A_228 = vector.broadcast %jit3A_226 : i32 to vector<16xi32>
        %select_n3A_229 = arith.select %ge3A_224, %broadcast_in_dim3A_227, %broadcast_in_dim3A_228 : vector<16xi1>, vector<16xi32>
        %broadcast_in_dim3A_230 = arith.constant true
        %broadcast_in_dim3A_231 = vector.broadcast %broadcast_in_dim3A_230 : i1 to vector<16xi1>
        %masked_cumsum3A_232 = tpu.scan <sum>, %select_n3A_229 masked %broadcast_in_dim3A_231 : vector<16xi32>, vector<16xi1> -> vector<16xi32>
        %add3A_233 = vector.broadcast %add3A_205 : i32 to vector<16xi32>
        %add3A_234 = arith.addi %add3A_233, %masked_cumsum3A_232 : vector<16xi32>
        %sub3A_235 = arith.subi %add3A_234, %select_n3A_229 : vector<16xi32>
        %jit3A_236 = arith.constant 256 : i32
        %broadcast_in_dim3A_237 = vector.broadcast %jit3A_236 : i32 to vector<16xi32>
        %select_n3A_238 = arith.select %ge3A_224, %sub3A_235, %broadcast_in_dim3A_237 : vector<16xi1>, vector<16xi32>
        %sub3A_239 = arith.constant 92160 : i32
        %sub3A_240 = vector.broadcast %sub3A_239 : i32 to vector<16xi32>
        %sub3A_241 = arith.subi %get3A_213, %sub3A_240 : vector<16xi32>
        tpu.vector_store_idx %arg9[%select_n3A_238], %sub3A_241 : memref<272xi32, #tpu.memory_space<vmem>>[vector<16xi32>], vector<16xi32>,
        tpu.vector_store_idx %arg8[%select_n3A_238], %get3A_221 : memref<272xi32, #tpu.memory_space<vmem>>[vector<16xi32>], vector<16xi32>,
        %slice3A_242 = vector.extract_strided_slice %masked_cumsum3A_232 {offsets = [15], sizes = [1], strides = [1]} : vector<16xi32> to vector<1xi32>
        %squeeze3A_243 = vector.extract %slice3A_242[0] : i32 from vector<1xi32>
        %add3A_244 = arith.addi %add3A_205, %squeeze3A_243 : i32
        %mul3A_245 = arith.constant 8 : i32
        %mul3A_246 = arith.muli %scan3A_172, %mul3A_245 : i32
        %add3A_247 = arith.constant 2 : i32
        %add3A_248 = arith.addi %mul3A_246, %add3A_247 : i32
        %mul3A_249 = arith.constant 16 : i32
        %mul3A_250 = arith.muli %add3A_248, %mul3A_249 : i32
        %get3A_251 = arith.index_cast %mul3A_250 : i32 to index
        %get3A_252 = tpu.vector_load %arg7[%get3A_251] {strides = array<i32>} : memref<8192xi32, #tpu.memory_space<vmem>>, vector<16xi32>,
        %mul3A_253 = arith.constant 8 : i32
        %mul3A_254 = arith.muli %scan3A_172, %mul3A_253 : i32
        %add3A_255 = arith.constant 2 : i32
        %add3A_256 = arith.addi %mul3A_254, %add3A_255 : i32
        %mul3A_257 = arith.constant 16 : i32
        %mul3A_258 = arith.muli %add3A_256, %mul3A_257 : i32
        %get3A_259 = arith.index_cast %mul3A_258 : i32 to index
        %get3A_260 = tpu.vector_load %arg6[%get3A_259] {strides = array<i32>} : memref<8192xi32, #tpu.memory_space<vmem>>, vector<16xi32>,
        %ge3A_261 = arith.constant 92160 : i32
        %ge3A_262 = vector.broadcast %ge3A_261 : i32 to vector<16xi32>
        %ge3A_263 = arith.cmpi sge, %get3A_252, %ge3A_262 : vector<16xi32>
        %jit3A_264 = arith.constant 1 : i32
        %jit3A_265 = arith.constant 0 : i32
        %broadcast_in_dim3A_266 = vector.broadcast %jit3A_264 : i32 to vector<16xi32>
        %broadcast_in_dim3A_267 = vector.broadcast %jit3A_265 : i32 to vector<16xi32>
        %select_n3A_268 = arith.select %ge3A_263, %broadcast_in_dim3A_266, %broadcast_in_dim3A_267 : vector<16xi1>, vector<16xi32>
        %broadcast_in_dim3A_269 = arith.constant true
        %broadcast_in_dim3A_270 = vector.broadcast %broadcast_in_dim3A_269 : i1 to vector<16xi1>
        %masked_cumsum3A_271 = tpu.scan <sum>, %select_n3A_268 masked %broadcast_in_dim3A_270 : vector<16xi32>, vector<16xi1> -> vector<16xi32>
        %add3A_272 = vector.broadcast %add3A_244 : i32 to vector<16xi32>
        %add3A_273 = arith.addi %add3A_272, %masked_cumsum3A_271 : vector<16xi32>
        %sub3A_274 = arith.subi %add3A_273, %select_n3A_268 : vector<16xi32>
        %jit3A_275 = arith.constant 256 : i32
        %broadcast_in_dim3A_276 = vector.broadcast %jit3A_275 : i32 to vector<16xi32>
        %select_n3A_277 = arith.select %ge3A_263, %sub3A_274, %broadcast_in_dim3A_276 : vector<16xi1>, vector<16xi32>
        %sub3A_278 = arith.constant 92160 : i32
        %sub3A_279 = vector.broadcast %sub3A_278 : i32 to vector<16xi32>
        %sub3A_280 = arith.subi %get3A_252, %sub3A_279 : vector<16xi32>
        tpu.vector_store_idx %arg9[%select_n3A_277], %sub3A_280 : memref<272xi32, #tpu.memory_space<vmem>>[vector<16xi32>], vector<16xi32>,
        tpu.vector_store_idx %arg8[%select_n3A_277], %get3A_260 : memref<272xi32, #tpu.memory_space<vmem>>[vector<16xi32>], vector<16xi32>,
        %slice3A_281 = vector.extract_strided_slice %masked_cumsum3A_271 {offsets = [15], sizes = [1], strides = [1]} : vector<16xi32> to vector<1xi32>
        %squeeze3A_282 = vector.extract %slice3A_281[0] : i32 from vector<1xi32>
        %add3A_283 = arith.addi %add3A_244, %squeeze3A_282 : i32
        %mul3A_284 = arith.constant 8 : i32
        %mul3A_285 = arith.muli %scan3A_172, %mul3A_284 : i32
        %add3A_286 = arith.constant 3 : i32
        %add3A_287 = arith.addi %mul3A_285, %add3A_286 : i32
        %mul3A_288 = arith.constant 16 : i32
        %mul3A_289 = arith.muli %add3A_287, %mul3A_288 : i32
        %get3A_290 = arith.index_cast %mul3A_289 : i32 to index
        %get3A_291 = tpu.vector_load %arg7[%get3A_290] {strides = array<i32>} : memref<8192xi32, #tpu.memory_space<vmem>>, vector<16xi32>,
        %mul3A_292 = arith.constant 8 : i32
        %mul3A_293 = arith.muli %scan3A_172, %mul3A_292 : i32
        %add3A_294 = arith.constant 3 : i32
        %add3A_295 = arith.addi %mul3A_293, %add3A_294 : i32
        %mul3A_296 = arith.constant 16 : i32
        %mul3A_297 = arith.muli %add3A_295, %mul3A_296 : i32
        %get3A_298 = arith.index_cast %mul3A_297 : i32 to index
        %get3A_299 = tpu.vector_load %arg6[%get3A_298] {strides = array<i32>} : memref<8192xi32, #tpu.memory_space<vmem>>, vector<16xi32>,
        %ge3A_300 = arith.constant 92160 : i32
        %ge3A_301 = vector.broadcast %ge3A_300 : i32 to vector<16xi32>
        %ge3A_302 = arith.cmpi sge, %get3A_291, %ge3A_301 : vector<16xi32>
        %jit3A_303 = arith.constant 1 : i32
        %jit3A_304 = arith.constant 0 : i32
        %broadcast_in_dim3A_305 = vector.broadcast %jit3A_303 : i32 to vector<16xi32>
        %broadcast_in_dim3A_306 = vector.broadcast %jit3A_304 : i32 to vector<16xi32>
        %select_n3A_307 = arith.select %ge3A_302, %broadcast_in_dim3A_305, %broadcast_in_dim3A_306 : vector<16xi1>, vector<16xi32>
        %broadcast_in_dim3A_308 = arith.constant true
        %broadcast_in_dim3A_309 = vector.broadcast %broadcast_in_dim3A_308 : i1 to vector<16xi1>
        %masked_cumsum3A_310 = tpu.scan <sum>, %select_n3A_307 masked %broadcast_in_dim3A_309 : vector<16xi32>, vector<16xi1> -> vector<16xi32>
        %add3A_311 = vector.broadcast %add3A_283 : i32 to vector<16xi32>
        %add3A_312 = arith.addi %add3A_311, %masked_cumsum3A_310 : vector<16xi32>
        %sub3A_313 = arith.subi %add3A_312, %select_n3A_307 : vector<16xi32>
        %jit3A_314 = arith.constant 256 : i32
        %broadcast_in_dim3A_315 = vector.broadcast %jit3A_314 : i32 to vector<16xi32>
        %select_n3A_316 = arith.select %ge3A_302, %sub3A_313, %broadcast_in_dim3A_315 : vector<16xi1>, vector<16xi32>
        %sub3A_317 = arith.constant 92160 : i32
        %sub3A_318 = vector.broadcast %sub3A_317 : i32 to vector<16xi32>
        %sub3A_319 = arith.subi %get3A_291, %sub3A_318 : vector<16xi32>
        tpu.vector_store_idx %arg9[%select_n3A_316], %sub3A_319 : memref<272xi32, #tpu.memory_space<vmem>>[vector<16xi32>], vector<16xi32>,
        tpu.vector_store_idx %arg8[%select_n3A_316], %get3A_299 : memref<272xi32, #tpu.memory_space<vmem>>[vector<16xi32>], vector<16xi32>,
        %slice3A_320 = vector.extract_strided_slice %masked_cumsum3A_310 {offsets = [15], sizes = [1], strides = [1]} : vector<16xi32> to vector<1xi32>
        %squeeze3A_321 = vector.extract %slice3A_320[0] : i32 from vector<1xi32>
        %add3A_322 = arith.addi %add3A_283, %squeeze3A_321 : i32
        %mul3A_323 = arith.constant 8 : i32
        %mul3A_324 = arith.muli %scan3A_172, %mul3A_323 : i32
        %add3A_325 = arith.constant 4 : i32
        %add3A_326 = arith.addi %mul3A_324, %add3A_325 : i32
        %mul3A_327 = arith.constant 16 : i32
        %mul3A_328 = arith.muli %add3A_326, %mul3A_327 : i32
        %get3A_329 = arith.index_cast %mul3A_328 : i32 to index
        %get3A_330 = tpu.vector_load %arg7[%get3A_329] {strides = array<i32>} : memref<8192xi32, #tpu.memory_space<vmem>>, vector<16xi32>,
        %mul3A_331 = arith.constant 8 : i32
        %mul3A_332 = arith.muli %scan3A_172, %mul3A_331 : i32
        %add3A_333 = arith.constant 4 : i32
        %add3A_334 = arith.addi %mul3A_332, %add3A_333 : i32
        %mul3A_335 = arith.constant 16 : i32
        %mul3A_336 = arith.muli %add3A_334, %mul3A_335 : i32
        %get3A_337 = arith.index_cast %mul3A_336 : i32 to index
        %get3A_338 = tpu.vector_load %arg6[%get3A_337] {strides = array<i32>} : memref<8192xi32, #tpu.memory_space<vmem>>, vector<16xi32>,
        %ge3A_339 = arith.constant 92160 : i32
        %ge3A_340 = vector.broadcast %ge3A_339 : i32 to vector<16xi32>
        %ge3A_341 = arith.cmpi sge, %get3A_330, %ge3A_340 : vector<16xi32>
        %jit3A_342 = arith.constant 1 : i32
        %jit3A_343 = arith.constant 0 : i32
        %broadcast_in_dim3A_344 = vector.broadcast %jit3A_342 : i32 to vector<16xi32>
        %broadcast_in_dim3A_345 = vector.broadcast %jit3A_343 : i32 to vector<16xi32>
        %select_n3A_346 = arith.select %ge3A_341, %broadcast_in_dim3A_344, %broadcast_in_dim3A_345 : vector<16xi1>, vector<16xi32>
        %broadcast_in_dim3A_347 = arith.constant true
        %broadcast_in_dim3A_348 = vector.broadcast %broadcast_in_dim3A_347 : i1 to vector<16xi1>
        %masked_cumsum3A_349 = tpu.scan <sum>, %select_n3A_346 masked %broadcast_in_dim3A_348 : vector<16xi32>, vector<16xi1> -> vector<16xi32>
        %add3A_350 = vector.broadcast %add3A_322 : i32 to vector<16xi32>
        %add3A_351 = arith.addi %add3A_350, %masked_cumsum3A_349 : vector<16xi32>
        %sub3A_352 = arith.subi %add3A_351, %select_n3A_346 : vector<16xi32>
        %jit3A_353 = arith.constant 256 : i32
        %broadcast_in_dim3A_354 = vector.broadcast %jit3A_353 : i32 to vector<16xi32>
        %select_n3A_355 = arith.select %ge3A_341, %sub3A_352, %broadcast_in_dim3A_354 : vector<16xi1>, vector<16xi32>
        %sub3A_356 = arith.constant 92160 : i32
        %sub3A_357 = vector.broadcast %sub3A_356 : i32 to vector<16xi32>
        %sub3A_358 = arith.subi %get3A_330, %sub3A_357 : vector<16xi32>
        tpu.vector_store_idx %arg9[%select_n3A_355], %sub3A_358 : memref<272xi32, #tpu.memory_space<vmem>>[vector<16xi32>], vector<16xi32>,
        tpu.vector_store_idx %arg8[%select_n3A_355], %get3A_338 : memref<272xi32, #tpu.memory_space<vmem>>[vector<16xi32>], vector<16xi32>,
        %slice3A_359 = vector.extract_strided_slice %masked_cumsum3A_349 {offsets = [15], sizes = [1], strides = [1]} : vector<16xi32> to vector<1xi32>
        %squeeze3A_360 = vector.extract %slice3A_359[0] : i32 from vector<1xi32>
        %add3A_361 = arith.addi %add3A_322, %squeeze3A_360 : i32
        %mul3A_362 = arith.constant 8 : i32
        %mul3A_363 = arith.muli %scan3A_172, %mul3A_362 : i32
        %add3A_364 = arith.constant 5 : i32
        %add3A_365 = arith.addi %mul3A_363, %add3A_364 : i32
        %mul3A_366 = arith.constant 16 : i32
        %mul3A_367 = arith.muli %add3A_365, %mul3A_366 : i32
        %get3A_368 = arith.index_cast %mul3A_367 : i32 to index
        %get3A_369 = tpu.vector_load %arg7[%get3A_368] {strides = array<i32>} : memref<8192xi32, #tpu.memory_space<vmem>>, vector<16xi32>,
        %mul3A_370 = arith.constant 8 : i32
        %mul3A_371 = arith.muli %scan3A_172, %mul3A_370 : i32
        %add3A_372 = arith.constant 5 : i32
        %add3A_373 = arith.addi %mul3A_371, %add3A_372 : i32
        %mul3A_374 = arith.constant 16 : i32
        %mul3A_375 = arith.muli %add3A_373, %mul3A_374 : i32
        %get3A_376 = arith.index_cast %mul3A_375 : i32 to index
        %get3A_377 = tpu.vector_load %arg6[%get3A_376] {strides = array<i32>} : memref<8192xi32, #tpu.memory_space<vmem>>, vector<16xi32>,
        %ge3A_378 = arith.constant 92160 : i32
        %ge3A_379 = vector.broadcast %ge3A_378 : i32 to vector<16xi32>
        %ge3A_380 = arith.cmpi sge, %get3A_369, %ge3A_379 : vector<16xi32>
        %jit3A_381 = arith.constant 1 : i32
        %jit3A_382 = arith.constant 0 : i32
        %broadcast_in_dim3A_383 = vector.broadcast %jit3A_381 : i32 to vector<16xi32>
        %broadcast_in_dim3A_384 = vector.broadcast %jit3A_382 : i32 to vector<16xi32>
        %select_n3A_385 = arith.select %ge3A_380, %broadcast_in_dim3A_383, %broadcast_in_dim3A_384 : vector<16xi1>, vector<16xi32>
        %broadcast_in_dim3A_386 = arith.constant true
        %broadcast_in_dim3A_387 = vector.broadcast %broadcast_in_dim3A_386 : i1 to vector<16xi1>
        %masked_cumsum3A_388 = tpu.scan <sum>, %select_n3A_385 masked %broadcast_in_dim3A_387 : vector<16xi32>, vector<16xi1> -> vector<16xi32>
        %add3A_389 = vector.broadcast %add3A_361 : i32 to vector<16xi32>
        %add3A_390 = arith.addi %add3A_389, %masked_cumsum3A_388 : vector<16xi32>
        %sub3A_391 = arith.subi %add3A_390, %select_n3A_385 : vector<16xi32>
        %jit3A_392 = arith.constant 256 : i32
        %broadcast_in_dim3A_393 = vector.broadcast %jit3A_392 : i32 to vector<16xi32>
        %select_n3A_394 = arith.select %ge3A_380, %sub3A_391, %broadcast_in_dim3A_393 : vector<16xi1>, vector<16xi32>
        %sub3A_395 = arith.constant 92160 : i32
        %sub3A_396 = vector.broadcast %sub3A_395 : i32 to vector<16xi32>
        %sub3A_397 = arith.subi %get3A_369, %sub3A_396 : vector<16xi32>
        tpu.vector_store_idx %arg9[%select_n3A_394], %sub3A_397 : memref<272xi32, #tpu.memory_space<vmem>>[vector<16xi32>], vector<16xi32>,
        tpu.vector_store_idx %arg8[%select_n3A_394], %get3A_377 : memref<272xi32, #tpu.memory_space<vmem>>[vector<16xi32>], vector<16xi32>,
        %slice3A_398 = vector.extract_strided_slice %masked_cumsum3A_388 {offsets = [15], sizes = [1], strides = [1]} : vector<16xi32> to vector<1xi32>
        %squeeze3A_399 = vector.extract %slice3A_398[0] : i32 from vector<1xi32>
        %add3A_400 = arith.addi %add3A_361, %squeeze3A_399 : i32
        %mul3A_401 = arith.constant 8 : i32
        %mul3A_402 = arith.muli %scan3A_172, %mul3A_401 : i32
        %add3A_403 = arith.constant 6 : i32
        %add3A_404 = arith.addi %mul3A_402, %add3A_403 : i32
        %mul3A_405 = arith.constant 16 : i32
        %mul3A_406 = arith.muli %add3A_404, %mul3A_405 : i32
        %get3A_407 = arith.index_cast %mul3A_406 : i32 to index
        %get3A_408 = tpu.vector_load %arg7[%get3A_407] {strides = array<i32>} : memref<8192xi32, #tpu.memory_space<vmem>>, vector<16xi32>,
        %mul3A_409 = arith.constant 8 : i32
        %mul3A_410 = arith.muli %scan3A_172, %mul3A_409 : i32
        %add3A_411 = arith.constant 6 : i32
        %add3A_412 = arith.addi %mul3A_410, %add3A_411 : i32
        %mul3A_413 = arith.constant 16 : i32
        %mul3A_414 = arith.muli %add3A_412, %mul3A_413 : i32
        %get3A_415 = arith.index_cast %mul3A_414 : i32 to index
        %get3A_416 = tpu.vector_load %arg6[%get3A_415] {strides = array<i32>} : memref<8192xi32, #tpu.memory_space<vmem>>, vector<16xi32>,
        %ge3A_417 = arith.constant 92160 : i32
        %ge3A_418 = vector.broadcast %ge3A_417 : i32 to vector<16xi32>
        %ge3A_419 = arith.cmpi sge, %get3A_408, %ge3A_418 : vector<16xi32>
        %jit3A_420 = arith.constant 1 : i32
        %jit3A_421 = arith.constant 0 : i32
        %broadcast_in_dim3A_422 = vector.broadcast %jit3A_420 : i32 to vector<16xi32>
        %broadcast_in_dim3A_423 = vector.broadcast %jit3A_421 : i32 to vector<16xi32>
        %select_n3A_424 = arith.select %ge3A_419, %broadcast_in_dim3A_422, %broadcast_in_dim3A_423 : vector<16xi1>, vector<16xi32>
        %broadcast_in_dim3A_425 = arith.constant true
        %broadcast_in_dim3A_426 = vector.broadcast %broadcast_in_dim3A_425 : i1 to vector<16xi1>
        %masked_cumsum3A_427 = tpu.scan <sum>, %select_n3A_424 masked %broadcast_in_dim3A_426 : vector<16xi32>, vector<16xi1> -> vector<16xi32>
        %add3A_428 = vector.broadcast %add3A_400 : i32 to vector<16xi32>
        %add3A_429 = arith.addi %add3A_428, %masked_cumsum3A_427 : vector<16xi32>
        %sub3A_430 = arith.subi %add3A_429, %select_n3A_424 : vector<16xi32>
        %jit3A_431 = arith.constant 256 : i32
        %broadcast_in_dim3A_432 = vector.broadcast %jit3A_431 : i32 to vector<16xi32>
        %select_n3A_433 = arith.select %ge3A_419, %sub3A_430, %broadcast_in_dim3A_432 : vector<16xi1>, vector<16xi32>
        %sub3A_434 = arith.constant 92160 : i32
        %sub3A_435 = vector.broadcast %sub3A_434 : i32 to vector<16xi32>
        %sub3A_436 = arith.subi %get3A_408, %sub3A_435 : vector<16xi32>
        tpu.vector_store_idx %arg9[%select_n3A_433], %sub3A_436 : memref<272xi32, #tpu.memory_space<vmem>>[vector<16xi32>], vector<16xi32>,
        tpu.vector_store_idx %arg8[%select_n3A_433], %get3A_416 : memref<272xi32, #tpu.memory_space<vmem>>[vector<16xi32>], vector<16xi32>,
        %slice3A_437 = vector.extract_strided_slice %masked_cumsum3A_427 {offsets = [15], sizes = [1], strides = [1]} : vector<16xi32> to vector<1xi32>
        %squeeze3A_438 = vector.extract %slice3A_437[0] : i32 from vector<1xi32>
        %add3A_439 = arith.addi %add3A_400, %squeeze3A_438 : i32
        %mul3A_440 = arith.constant 8 : i32
        %mul3A_441 = arith.muli %scan3A_172, %mul3A_440 : i32
        %add3A_442 = arith.constant 7 : i32
        %add3A_443 = arith.addi %mul3A_441, %add3A_442 : i32
        %mul3A_444 = arith.constant 16 : i32
        %mul3A_445 = arith.muli %add3A_443, %mul3A_444 : i32
        %get3A_446 = arith.index_cast %mul3A_445 : i32 to index
        %get3A_447 = tpu.vector_load %arg7[%get3A_446] {strides = array<i32>} : memref<8192xi32, #tpu.memory_space<vmem>>, vector<16xi32>,
        %mul3A_448 = arith.constant 8 : i32
        %mul3A_449 = arith.muli %scan3A_172, %mul3A_448 : i32
        %add3A_450 = arith.constant 7 : i32
        %add3A_451 = arith.addi %mul3A_449, %add3A_450 : i32
        %mul3A_452 = arith.constant 16 : i32
        %mul3A_453 = arith.muli %add3A_451, %mul3A_452 : i32
        %get3A_454 = arith.index_cast %mul3A_453 : i32 to index
        %get3A_455 = tpu.vector_load %arg6[%get3A_454] {strides = array<i32>} : memref<8192xi32, #tpu.memory_space<vmem>>, vector<16xi32>,
        %ge3A_456 = arith.constant 92160 : i32
        %ge3A_457 = vector.broadcast %ge3A_456 : i32 to vector<16xi32>
        %ge3A_458 = arith.cmpi sge, %get3A_447, %ge3A_457 : vector<16xi32>
        %jit3A_459 = arith.constant 1 : i32
        %jit3A_460 = arith.constant 0 : i32
        %broadcast_in_dim3A_461 = vector.broadcast %jit3A_459 : i32 to vector<16xi32>
        %broadcast_in_dim3A_462 = vector.broadcast %jit3A_460 : i32 to vector<16xi32>
        %select_n3A_463 = arith.select %ge3A_458, %broadcast_in_dim3A_461, %broadcast_in_dim3A_462 : vector<16xi1>, vector<16xi32>
        %broadcast_in_dim3A_464 = arith.constant true
        %broadcast_in_dim3A_465 = vector.broadcast %broadcast_in_dim3A_464 : i1 to vector<16xi1>
        %masked_cumsum3A_466 = tpu.scan <sum>, %select_n3A_463 masked %broadcast_in_dim3A_465 : vector<16xi32>, vector<16xi1> -> vector<16xi32>
        %add3A_467 = vector.broadcast %add3A_439 : i32 to vector<16xi32>
        %add3A_468 = arith.addi %add3A_467, %masked_cumsum3A_466 : vector<16xi32>
        %sub3A_469 = arith.subi %add3A_468, %select_n3A_463 : vector<16xi32>
        %jit3A_470 = arith.constant 256 : i32
        %broadcast_in_dim3A_471 = vector.broadcast %jit3A_470 : i32 to vector<16xi32>
        %select_n3A_472 = arith.select %ge3A_458, %sub3A_469, %broadcast_in_dim3A_471 : vector<16xi1>, vector<16xi32>
        %sub3A_473 = arith.constant 92160 : i32
        %sub3A_474 = vector.broadcast %sub3A_473 : i32 to vector<16xi32>
        %sub3A_475 = arith.subi %get3A_447, %sub3A_474 : vector<16xi32>
        tpu.vector_store_idx %arg9[%select_n3A_472], %sub3A_475 : memref<272xi32, #tpu.memory_space<vmem>>[vector<16xi32>], vector<16xi32>,
        tpu.vector_store_idx %arg8[%select_n3A_472], %get3A_455 : memref<272xi32, #tpu.memory_space<vmem>>[vector<16xi32>], vector<16xi32>,
        %slice3A_476 = vector.extract_strided_slice %masked_cumsum3A_466 {offsets = [15], sizes = [1], strides = [1]} : vector<16xi32> to vector<1xi32>
        %squeeze3A_477 = vector.extract %slice3A_476[0] : i32 from vector<1xi32>
        %add3A_478 = arith.addi %add3A_439, %squeeze3A_477 : i32
        %ge3A_479 = arith.constant 128 : i32
        %ge3A_480 = arith.cmpi sge, %add3A_478, %ge3A_479 : i32
        %convert_element_type3A_481 = arith.extui %ge3A_480 : i1 to i32
        %cond3A_482 = arith.constant 0 : i32
        %cond3A_483 = arith.cmpi ne, %convert_element_type3A_481, %cond3A_482 : i32
        scf.if %cond3A_483 {
          %get3A_487 = arith.constant 0 : index
          %get3A_488 = tpu.vector_load %arg8[%get3A_487] {strides = array<i32>} : memref<272xi32, #tpu.memory_space<vmem>>, vector<16xi32>,
          %swap3A_489 = arith.constant 0 : index
          %swap3A_490 = tpu.vector_load %arg10[%swap3A_489] {strides = array<i32>} : memref<128xi32, #tpu.memory_space<vmem>>, vector<16xi32>,
          tpu.vector_store %arg10[%swap3A_489], %get3A_488 {strides = array<i32>} : memref<128xi32, #tpu.memory_space<vmem>>, vector<16xi32>,
          %get3A_491 = arith.constant 0 : index
          %get3A_492 = tpu.vector_load %arg9[%get3A_491] {strides = array<i32>} : memref<272xi32, #tpu.memory_space<vmem>>, vector<16xi32>,
          %swap3A_493 = arith.constant 0 : index
          %swap3A_494 = tpu.vector_load %arg11[%swap3A_493] {strides = array<i32>} : memref<128xi32, #tpu.memory_space<vmem>>, vector<16xi32>,
          tpu.vector_store %arg11[%swap3A_493], %get3A_492 {strides = array<i32>} : memref<128xi32, #tpu.memory_space<vmem>>, vector<16xi32>,
          %get3A_495 = arith.constant 16 : index
          %get3A_496 = tpu.vector_load %arg8[%get3A_495] {strides = array<i32>} : memref<272xi32, #tpu.memory_space<vmem>>, vector<16xi32>,
          %swap3A_497 = arith.constant 16 : index
          %swap3A_498 = tpu.vector_load %arg10[%swap3A_497] {strides = array<i32>} : memref<128xi32, #tpu.memory_space<vmem>>, vector<16xi32>,
          tpu.vector_store %arg10[%swap3A_497], %get3A_496 {strides = array<i32>} : memref<128xi32, #tpu.memory_space<vmem>>, vector<16xi32>,
          %get3A_499 = arith.constant 16 : index
          %get3A_500 = tpu.vector_load %arg9[%get3A_499] {strides = array<i32>} : memref<272xi32, #tpu.memory_space<vmem>>, vector<16xi32>,
          %swap3A_501 = arith.constant 16 : index
          %swap3A_502 = tpu.vector_load %arg11[%swap3A_501] {strides = array<i32>} : memref<128xi32, #tpu.memory_space<vmem>>, vector<16xi32>,
          tpu.vector_store %arg11[%swap3A_501], %get3A_500 {strides = array<i32>} : memref<128xi32, #tpu.memory_space<vmem>>, vector<16xi32>,
          %get3A_503 = arith.constant 32 : index
          %get3A_504 = tpu.vector_load %arg8[%get3A_503] {strides = array<i32>} : memref<272xi32, #tpu.memory_space<vmem>>, vector<16xi32>,
          %swap3A_505 = arith.constant 32 : index
          %swap3A_506 = tpu.vector_load %arg10[%swap3A_505] {strides = array<i32>} : memref<128xi32, #tpu.memory_space<vmem>>, vector<16xi32>,
          tpu.vector_store %arg10[%swap3A_505], %get3A_504 {strides = array<i32>} : memref<128xi32, #tpu.memory_space<vmem>>, vector<16xi32>,
          %get3A_507 = arith.constant 32 : index
          %get3A_508 = tpu.vector_load %arg9[%get3A_507] {strides = array<i32>} : memref<272xi32, #tpu.memory_space<vmem>>, vector<16xi32>,
          %swap3A_509 = arith.constant 32 : index
          %swap3A_510 = tpu.vector_load %arg11[%swap3A_509] {strides = array<i32>} : memref<128xi32, #tpu.memory_space<vmem>>, vector<16xi32>,
          tpu.vector_store %arg11[%swap3A_509], %get3A_508 {strides = array<i32>} : memref<128xi32, #tpu.memory_space<vmem>>, vector<16xi32>,
          %get3A_511 = arith.constant 48 : index
          %get3A_512 = tpu.vector_load %arg8[%get3A_511] {strides = array<i32>} : memref<272xi32, #tpu.memory_space<vmem>>, vector<16xi32>,
          %swap3A_513 = arith.constant 48 : index
          %swap3A_514 = tpu.vector_load %arg10[%swap3A_513] {strides = array<i32>} : memref<128xi32, #tpu.memory_space<vmem>>, vector<16xi32>,
          tpu.vector_store %arg10[%swap3A_513], %get3A_512 {strides = array<i32>} : memref<128xi32, #tpu.memory_space<vmem>>, vector<16xi32>,
          %get3A_515 = arith.constant 48 : index
          %get3A_516 = tpu.vector_load %arg9[%get3A_515] {strides = array<i32>} : memref<272xi32, #tpu.memory_space<vmem>>, vector<16xi32>,
          %swap3A_517 = arith.constant 48 : index
          %swap3A_518 = tpu.vector_load %arg11[%swap3A_517] {strides = array<i32>} : memref<128xi32, #tpu.memory_space<vmem>>, vector<16xi32>,
          tpu.vector_store %arg11[%swap3A_517], %get3A_516 {strides = array<i32>} : memref<128xi32, #tpu.memory_space<vmem>>, vector<16xi32>,
          %get3A_519 = arith.constant 64 : index
          %get3A_520 = tpu.vector_load %arg8[%get3A_519] {strides = array<i32>} : memref<272xi32, #tpu.memory_space<vmem>>, vector<16xi32>,
          %swap3A_521 = arith.constant 64 : index
          %swap3A_522 = tpu.vector_load %arg10[%swap3A_521] {strides = array<i32>} : memref<128xi32, #tpu.memory_space<vmem>>, vector<16xi32>,
          tpu.vector_store %arg10[%swap3A_521], %get3A_520 {strides = array<i32>} : memref<128xi32, #tpu.memory_space<vmem>>, vector<16xi32>,
          %get3A_523 = arith.constant 64 : index
          %get3A_524 = tpu.vector_load %arg9[%get3A_523] {strides = array<i32>} : memref<272xi32, #tpu.memory_space<vmem>>, vector<16xi32>,
          %swap3A_525 = arith.constant 64 : index
          %swap3A_526 = tpu.vector_load %arg11[%swap3A_525] {strides = array<i32>} : memref<128xi32, #tpu.memory_space<vmem>>, vector<16xi32>,
          tpu.vector_store %arg11[%swap3A_525], %get3A_524 {strides = array<i32>} : memref<128xi32, #tpu.memory_space<vmem>>, vector<16xi32>,
          %get3A_527 = arith.constant 80 : index
          %get3A_528 = tpu.vector_load %arg8[%get3A_527] {strides = array<i32>} : memref<272xi32, #tpu.memory_space<vmem>>, vector<16xi32>,
          %swap3A_529 = arith.constant 80 : index
          %swap3A_530 = tpu.vector_load %arg10[%swap3A_529] {strides = array<i32>} : memref<128xi32, #tpu.memory_space<vmem>>, vector<16xi32>,
          tpu.vector_store %arg10[%swap3A_529], %get3A_528 {strides = array<i32>} : memref<128xi32, #tpu.memory_space<vmem>>, vector<16xi32>,
          %get3A_531 = arith.constant 80 : index
          %get3A_532 = tpu.vector_load %arg9[%get3A_531] {strides = array<i32>} : memref<272xi32, #tpu.memory_space<vmem>>, vector<16xi32>,
          %swap3A_533 = arith.constant 80 : index
          %swap3A_534 = tpu.vector_load %arg11[%swap3A_533] {strides = array<i32>} : memref<128xi32, #tpu.memory_space<vmem>>, vector<16xi32>,
          tpu.vector_store %arg11[%swap3A_533], %get3A_532 {strides = array<i32>} : memref<128xi32, #tpu.memory_space<vmem>>, vector<16xi32>,
          %get3A_535 = arith.constant 96 : index
          %get3A_536 = tpu.vector_load %arg8[%get3A_535] {strides = array<i32>} : memref<272xi32, #tpu.memory_space<vmem>>, vector<16xi32>,
          %swap3A_537 = arith.constant 96 : index
          %swap3A_538 = tpu.vector_load %arg10[%swap3A_537] {strides = array<i32>} : memref<128xi32, #tpu.memory_space<vmem>>, vector<16xi32>,
          tpu.vector_store %arg10[%swap3A_537], %get3A_536 {strides = array<i32>} : memref<128xi32, #tpu.memory_space<vmem>>, vector<16xi32>,
          %get3A_539 = arith.constant 96 : index
          %get3A_540 = tpu.vector_load %arg9[%get3A_539] {strides = array<i32>} : memref<272xi32, #tpu.memory_space<vmem>>, vector<16xi32>,
          %swap3A_541 = arith.constant 96 : index
          %swap3A_542 = tpu.vector_load %arg11[%swap3A_541] {strides = array<i32>} : memref<128xi32, #tpu.memory_space<vmem>>, vector<16xi32>,
          tpu.vector_store %arg11[%swap3A_541], %get3A_540 {strides = array<i32>} : memref<128xi32, #tpu.memory_space<vmem>>, vector<16xi32>,
          %get3A_543 = arith.constant 112 : index
          %get3A_544 = tpu.vector_load %arg8[%get3A_543] {strides = array<i32>} : memref<272xi32, #tpu.memory_space<vmem>>, vector<16xi32>,
          %swap3A_545 = arith.constant 112 : index
          %swap3A_546 = tpu.vector_load %arg10[%swap3A_545] {strides = array<i32>} : memref<128xi32, #tpu.memory_space<vmem>>, vector<16xi32>,
          tpu.vector_store %arg10[%swap3A_545], %get3A_544 {strides = array<i32>} : memref<128xi32, #tpu.memory_space<vmem>>, vector<16xi32>,
          %get3A_547 = arith.constant 112 : index
          %get3A_548 = tpu.vector_load %arg9[%get3A_547] {strides = array<i32>} : memref<272xi32, #tpu.memory_space<vmem>>, vector<16xi32>,
          %swap3A_549 = arith.constant 112 : index
          %swap3A_550 = tpu.vector_load %arg11[%swap3A_549] {strides = array<i32>} : memref<128xi32, #tpu.memory_space<vmem>>, vector<16xi32>,
          tpu.vector_store %arg11[%swap3A_549], %get3A_548 {strides = array<i32>} : memref<128xi32, #tpu.memory_space<vmem>>, vector<16xi32>,
          %dma_start3A_551 = arith.constant 0 : i32
          %dma_start3A_552 = arith.constant 0 : i32
          %dma_start3A_553 = tpu.memref_slice %arg2[%dma_start3A_551, %dma_start3A_552] : memref<98304x16xf32, #tpu.memory_space<hbm>> -> memref<98304x16xf32, #tpu.memory_space<hbm>>
          tpu.enqueue_indirect_dma source(%dma_start3A_553 : memref<98304x16xf32, #tpu.memory_space<hbm>>) target(%arg12 : memref<128x16xf32, #tpu.memory_space<vmem>>) offsets(%arg10 : memref<128xi32, #tpu.memory_space<vmem>>) semaphore(%arg17 : memref<!tpu.dma_semaphore, #tpu.memory_space<semaphore_mem>>)
          %dma_wait3A_554 = arith.constant 0 : i32
          %dma_wait3A_555 = arith.constant 0 : i32
          %dma_wait3A_556 = tpu.memref_slice %arg2[%dma_wait3A_554, %dma_wait3A_555] : memref<98304x16xf32, #tpu.memory_space<hbm>> -> memref<98304x16xf32, #tpu.memory_space<hbm>>
          tpu.wait_indirect_dma semaphore(%arg17 : memref<!tpu.dma_semaphore, #tpu.memory_space<semaphore_mem>>) src(%dma_wait3A_556 : memref<98304x16xf32, #tpu.memory_space<hbm>>) dst(%arg12 : memref<128x16xf32, #tpu.memory_space<vmem>>)
          "tpu.region"() ({
            %run_scoped3A_621 = tpu.sem_alloc : memref<!tpu.dma_semaphore, #tpu.memory_space<semaphore_mem>>
            %dma_start3A_622 = arith.constant 0 : i32
            %dma_start3A_623 = arith.constant 0 : i32
            %dma_start3A_624 = tpu.memref_slice %arg15[%dma_start3A_622, %dma_start3A_623] : memref<6400x16xf32, #tpu.memory_space<vmem_shared>> -> memref<6400x16xf32, #tpu.memory_space<vmem_shared>>
            tpu.enqueue_indirect_dma source(%arg12 : memref<128x16xf32, #tpu.memory_space<vmem>>) target(%dma_start3A_624 : memref<6400x16xf32, #tpu.memory_space<vmem_shared>>) offsets(%arg11 : memref<128xi32, #tpu.memory_space<vmem>>) semaphore(%run_scoped3A_621 : memref<!tpu.dma_semaphore, #tpu.memory_space<semaphore_mem>>) {add = true}
            %dma_wait3A_625 = arith.constant 0 : i32
            %dma_wait3A_626 = arith.constant 0 : i32
            %dma_wait3A_627 = tpu.memref_slice %arg15[%dma_wait3A_625, %dma_wait3A_626] : memref<6400x16xf32, #tpu.memory_space<vmem_shared>> -> memref<6400x16xf32, #tpu.memory_space<vmem_shared>>
            tpu.wait_indirect_dma semaphore(%run_scoped3A_621 : memref<!tpu.dma_semaphore, #tpu.memory_space<semaphore_mem>>) src(%arg12 : memref<128x16xf32, #tpu.memory_space<vmem>>) dst(%dma_wait3A_627 : memref<6400x16xf32, #tpu.memory_space<vmem_shared>>)
            tpu.yield
          }) : () -> ()
          "tpu.region"() ({
            %run_scoped3A_621 = tpu.sem_alloc : memref<!tpu.dma_semaphore, #tpu.memory_space<semaphore_mem>>
            %dma_start3A_622 = arith.constant 0 : i32
            %dma_start3A_623 = arith.constant 0 : i32
            %dma_start3A_624 = tpu.memref_slice %arg16[%dma_start3A_622, %dma_start3A_623] : memref<6400x16xf32, #tpu.memory_space<vmem_shared>> -> memref<6400x16xf32, #tpu.memory_space<vmem_shared>>
            tpu.enqueue_indirect_dma source(%arg13 : memref<128x16xf32, #tpu.memory_space<vmem>>) target(%dma_start3A_624 : memref<6400x16xf32, #tpu.memory_space<vmem_shared>>) offsets(%arg11 : memref<128xi32, #tpu.memory_space<vmem>>) semaphore(%run_scoped3A_621 : memref<!tpu.dma_semaphore, #tpu.memory_space<semaphore_mem>>) {add = true}
            %dma_wait3A_625 = arith.constant 0 : i32
            %dma_wait3A_626 = arith.constant 0 : i32
            %dma_wait3A_627 = tpu.memref_slice %arg16[%dma_wait3A_625, %dma_wait3A_626] : memref<6400x16xf32, #tpu.memory_space<vmem_shared>> -> memref<6400x16xf32, #tpu.memory_space<vmem_shared>>
            tpu.wait_indirect_dma semaphore(%run_scoped3A_621 : memref<!tpu.dma_semaphore, #tpu.memory_space<semaphore_mem>>) src(%arg13 : memref<128x16xf32, #tpu.memory_space<vmem>>) dst(%dma_wait3A_627 : memref<6400x16xf32, #tpu.memory_space<vmem_shared>>)
            tpu.yield
          }) : () -> ()
          %get3A_557 = arith.constant 128 : index
          %get3A_558 = tpu.vector_load %arg8[%get3A_557] {strides = array<i32>} : memref<272xi32, #tpu.memory_space<vmem>>, vector<16xi32>,
          %swap3A_559 = arith.constant 0 : index
          %swap3A_560 = tpu.vector_load %arg8[%swap3A_559] {strides = array<i32>} : memref<272xi32, #tpu.memory_space<vmem>>, vector<16xi32>,
          tpu.vector_store %arg8[%swap3A_559], %get3A_558 {strides = array<i32>} : memref<272xi32, #tpu.memory_space<vmem>>, vector<16xi32>,
          %get3A_561 = arith.constant 128 : index
          %get3A_562 = tpu.vector_load %arg9[%get3A_561] {strides = array<i32>} : memref<272xi32, #tpu.memory_space<vmem>>, vector<16xi32>,
          %swap3A_563 = arith.constant 0 : index
          %swap3A_564 = tpu.vector_load %arg9[%swap3A_563] {strides = array<i32>} : memref<272xi32, #tpu.memory_space<vmem>>, vector<16xi32>,
          tpu.vector_store %arg9[%swap3A_563], %get3A_562 {strides = array<i32>} : memref<272xi32, #tpu.memory_space<vmem>>, vector<16xi32>,
          %get3A_565 = arith.constant 144 : index
          %get3A_566 = tpu.vector_load %arg8[%get3A_565] {strides = array<i32>} : memref<272xi32, #tpu.memory_space<vmem>>, vector<16xi32>,
          %swap3A_567 = arith.constant 16 : index
          %swap3A_568 = tpu.vector_load %arg8[%swap3A_567] {strides = array<i32>} : memref<272xi32, #tpu.memory_space<vmem>>, vector<16xi32>,
          tpu.vector_store %arg8[%swap3A_567], %get3A_566 {strides = array<i32>} : memref<272xi32, #tpu.memory_space<vmem>>, vector<16xi32>,
          %get3A_569 = arith.constant 144 : index
          %get3A_570 = tpu.vector_load %arg9[%get3A_569] {strides = array<i32>} : memref<272xi32, #tpu.memory_space<vmem>>, vector<16xi32>,
          %swap3A_571 = arith.constant 16 : index
          %swap3A_572 = tpu.vector_load %arg9[%swap3A_571] {strides = array<i32>} : memref<272xi32, #tpu.memory_space<vmem>>, vector<16xi32>,
          tpu.vector_store %arg9[%swap3A_571], %get3A_570 {strides = array<i32>} : memref<272xi32, #tpu.memory_space<vmem>>, vector<16xi32>,
          %get3A_573 = arith.constant 160 : index
          %get3A_574 = tpu.vector_load %arg8[%get3A_573] {strides = array<i32>} : memref<272xi32, #tpu.memory_space<vmem>>, vector<16xi32>,
          %swap3A_575 = arith.constant 32 : index
          %swap3A_576 = tpu.vector_load %arg8[%swap3A_575] {strides = array<i32>} : memref<272xi32, #tpu.memory_space<vmem>>, vector<16xi32>,
          tpu.vector_store %arg8[%swap3A_575], %get3A_574 {strides = array<i32>} : memref<272xi32, #tpu.memory_space<vmem>>, vector<16xi32>,
          %get3A_577 = arith.constant 160 : index
          %get3A_578 = tpu.vector_load %arg9[%get3A_577] {strides = array<i32>} : memref<272xi32, #tpu.memory_space<vmem>>, vector<16xi32>,
          %swap3A_579 = arith.constant 32 : index
          %swap3A_580 = tpu.vector_load %arg9[%swap3A_579] {strides = array<i32>} : memref<272xi32, #tpu.memory_space<vmem>>, vector<16xi32>,
          tpu.vector_store %arg9[%swap3A_579], %get3A_578 {strides = array<i32>} : memref<272xi32, #tpu.memory_space<vmem>>, vector<16xi32>,
          %get3A_581 = arith.constant 176 : index
          %get3A_582 = tpu.vector_load %arg8[%get3A_581] {strides = array<i32>} : memref<272xi32, #tpu.memory_space<vmem>>, vector<16xi32>,
          %swap3A_583 = arith.constant 48 : index
          %swap3A_584 = tpu.vector_load %arg8[%swap3A_583] {strides = array<i32>} : memref<272xi32, #tpu.memory_space<vmem>>, vector<16xi32>,
          tpu.vector_store %arg8[%swap3A_583], %get3A_582 {strides = array<i32>} : memref<272xi32, #tpu.memory_space<vmem>>, vector<16xi32>,
          %get3A_585 = arith.constant 176 : index
          %get3A_586 = tpu.vector_load %arg9[%get3A_585] {strides = array<i32>} : memref<272xi32, #tpu.memory_space<vmem>>, vector<16xi32>,
          %swap3A_587 = arith.constant 48 : index
          %swap3A_588 = tpu.vector_load %arg9[%swap3A_587] {strides = array<i32>} : memref<272xi32, #tpu.memory_space<vmem>>, vector<16xi32>,
          tpu.vector_store %arg9[%swap3A_587], %get3A_586 {strides = array<i32>} : memref<272xi32, #tpu.memory_space<vmem>>, vector<16xi32>,
          %get3A_589 = arith.constant 192 : index
          %get3A_590 = tpu.vector_load %arg8[%get3A_589] {strides = array<i32>} : memref<272xi32, #tpu.memory_space<vmem>>, vector<16xi32>,
          %swap3A_591 = arith.constant 64 : index
          %swap3A_592 = tpu.vector_load %arg8[%swap3A_591] {strides = array<i32>} : memref<272xi32, #tpu.memory_space<vmem>>, vector<16xi32>,
          tpu.vector_store %arg8[%swap3A_591], %get3A_590 {strides = array<i32>} : memref<272xi32, #tpu.memory_space<vmem>>, vector<16xi32>,
          %get3A_593 = arith.constant 192 : index
          %get3A_594 = tpu.vector_load %arg9[%get3A_593] {strides = array<i32>} : memref<272xi32, #tpu.memory_space<vmem>>, vector<16xi32>,
          %swap3A_595 = arith.constant 64 : index
          %swap3A_596 = tpu.vector_load %arg9[%swap3A_595] {strides = array<i32>} : memref<272xi32, #tpu.memory_space<vmem>>, vector<16xi32>,
          tpu.vector_store %arg9[%swap3A_595], %get3A_594 {strides = array<i32>} : memref<272xi32, #tpu.memory_space<vmem>>, vector<16xi32>,
          %get3A_597 = arith.constant 208 : index
          %get3A_598 = tpu.vector_load %arg8[%get3A_597] {strides = array<i32>} : memref<272xi32, #tpu.memory_space<vmem>>, vector<16xi32>,
          %swap3A_599 = arith.constant 80 : index
          %swap3A_600 = tpu.vector_load %arg8[%swap3A_599] {strides = array<i32>} : memref<272xi32, #tpu.memory_space<vmem>>, vector<16xi32>,
          tpu.vector_store %arg8[%swap3A_599], %get3A_598 {strides = array<i32>} : memref<272xi32, #tpu.memory_space<vmem>>, vector<16xi32>,
          %get3A_601 = arith.constant 208 : index
          %get3A_602 = tpu.vector_load %arg9[%get3A_601] {strides = array<i32>} : memref<272xi32, #tpu.memory_space<vmem>>, vector<16xi32>,
          %swap3A_603 = arith.constant 80 : index
          %swap3A_604 = tpu.vector_load %arg9[%swap3A_603] {strides = array<i32>} : memref<272xi32, #tpu.memory_space<vmem>>, vector<16xi32>,
          tpu.vector_store %arg9[%swap3A_603], %get3A_602 {strides = array<i32>} : memref<272xi32, #tpu.memory_space<vmem>>, vector<16xi32>,
          %get3A_605 = arith.constant 224 : index
          %get3A_606 = tpu.vector_load %arg8[%get3A_605] {strides = array<i32>} : memref<272xi32, #tpu.memory_space<vmem>>, vector<16xi32>,
          %swap3A_607 = arith.constant 96 : index
          %swap3A_608 = tpu.vector_load %arg8[%swap3A_607] {strides = array<i32>} : memref<272xi32, #tpu.memory_space<vmem>>, vector<16xi32>,
          tpu.vector_store %arg8[%swap3A_607], %get3A_606 {strides = array<i32>} : memref<272xi32, #tpu.memory_space<vmem>>, vector<16xi32>,
          %get3A_609 = arith.constant 224 : index
          %get3A_610 = tpu.vector_load %arg9[%get3A_609] {strides = array<i32>} : memref<272xi32, #tpu.memory_space<vmem>>, vector<16xi32>,
          %swap3A_611 = arith.constant 96 : index
          %swap3A_612 = tpu.vector_load %arg9[%swap3A_611] {strides = array<i32>} : memref<272xi32, #tpu.memory_space<vmem>>, vector<16xi32>,
          tpu.vector_store %arg9[%swap3A_611], %get3A_610 {strides = array<i32>} : memref<272xi32, #tpu.memory_space<vmem>>, vector<16xi32>,
          %get3A_613 = arith.constant 240 : index
          %get3A_614 = tpu.vector_load %arg8[%get3A_613] {strides = array<i32>} : memref<272xi32, #tpu.memory_space<vmem>>, vector<16xi32>,
          %swap3A_615 = arith.constant 112 : index
          %swap3A_616 = tpu.vector_load %arg8[%swap3A_615] {strides = array<i32>} : memref<272xi32, #tpu.memory_space<vmem>>, vector<16xi32>,
          tpu.vector_store %arg8[%swap3A_615], %get3A_614 {strides = array<i32>} : memref<272xi32, #tpu.memory_space<vmem>>, vector<16xi32>,
          %get3A_617 = arith.constant 240 : index
          %get3A_618 = tpu.vector_load %arg9[%get3A_617] {strides = array<i32>} : memref<272xi32, #tpu.memory_space<vmem>>, vector<16xi32>,
          %swap3A_619 = arith.constant 112 : index
          %swap3A_620 = tpu.vector_load %arg9[%swap3A_619] {strides = array<i32>} : memref<272xi32, #tpu.memory_space<vmem>>, vector<16xi32>,
          tpu.vector_store %arg9[%swap3A_619], %get3A_618 {strides = array<i32>} : memref<272xi32, #tpu.memory_space<vmem>>, vector<16xi32>,
        } else {
        }
        %sub3A_484 = arith.constant 128 : i32
        %sub3A_485 = arith.subi %add3A_478, %sub3A_484 : i32
        %select_n3A_486 = arith.select %ge3A_480, %sub3A_485, %add3A_478 : i32
        scf.yield %select_n3A_486 : i32
      }
      %scan3A_171 = arith.constant 64 : i32
      scf.yield %scan3A_170 : i32
    }
    %scan3A_25 = arith.constant 6 : i32
    %broadcast_in_dim3A_26 = arith.constant 0 : i32
    %broadcast_in_dim3A_27 = vector.broadcast %broadcast_in_dim3A_26 : i32 to vector<16xi32>
    %broadcast_in_dim3A_28 = arith.constant 6144 : i32
    %broadcast_in_dim3A_29 = vector.broadcast %broadcast_in_dim3A_28 : i32 to vector<16xi32>
    %add3A_30 = arith.constant 0 : i32
    %add3A_31 = arith.addi %scan3A_24, %add3A_30 : i32
    %lt3A = arith.constant 128 : i32
    %lt3A_32 = arith.cmpi slt, %add3A_31, %lt3A : i32
    %convert_element_type3A = arith.extui %lt3A_32 : i1 to i32
    %cond3A = arith.constant 0 : i32
    %cond3A_33 = arith.cmpi ne, %convert_element_type3A, %cond3A : i32
    scf.if %cond3A_33 {
      %swap3A_158 = arith.index_cast %add3A_31 : i32 to index
      %swap3A_159 = tpu.vector_load %arg8[%swap3A_158] {strides = array<i32>} : memref<272xi32, #tpu.memory_space<vmem>>, vector<16xi32>,
      tpu.vector_store %arg8[%swap3A_158], %broadcast_in_dim3A_27 {strides = array<i32>} : memref<272xi32, #tpu.memory_space<vmem>>, vector<16xi32>,
      %swap3A_160 = arith.index_cast %add3A_31 : i32 to index
      %swap3A_161 = tpu.vector_load %arg9[%swap3A_160] {strides = array<i32>} : memref<272xi32, #tpu.memory_space<vmem>>, vector<16xi32>,
      tpu.vector_store %arg9[%swap3A_160], %broadcast_in_dim3A_29 {strides = array<i32>} : memref<272xi32, #tpu.memory_space<vmem>>, vector<16xi32>,
    } else {
    }
    %add3A_34 = arith.constant 16 : i32
    %add3A_35 = arith.addi %scan3A_24, %add3A_34 : i32
    %lt3A_36 = arith.constant 128 : i32
    %lt3A_37 = arith.cmpi slt, %add3A_35, %lt3A_36 : i32
    %convert_element_type3A_38 = arith.extui %lt3A_37 : i1 to i32
    %cond3A_39 = arith.constant 0 : i32
    %cond3A_40 = arith.cmpi ne, %convert_element_type3A_38, %cond3A_39 : i32
    scf.if %cond3A_40 {
      %swap3A_158 = arith.index_cast %add3A_35 : i32 to index
      %swap3A_159 = tpu.vector_load %arg8[%swap3A_158] {strides = array<i32>} : memref<272xi32, #tpu.memory_space<vmem>>, vector<16xi32>,
      tpu.vector_store %arg8[%swap3A_158], %broadcast_in_dim3A_27 {strides = array<i32>} : memref<272xi32, #tpu.memory_space<vmem>>, vector<16xi32>,
      %swap3A_160 = arith.index_cast %add3A_35 : i32 to index
      %swap3A_161 = tpu.vector_load %arg9[%swap3A_160] {strides = array<i32>} : memref<272xi32, #tpu.memory_space<vmem>>, vector<16xi32>,
      tpu.vector_store %arg9[%swap3A_160], %broadcast_in_dim3A_29 {strides = array<i32>} : memref<272xi32, #tpu.memory_space<vmem>>, vector<16xi32>,
    } else {
    }
    %add3A_41 = arith.constant 32 : i32
    %add3A_42 = arith.addi %scan3A_24, %add3A_41 : i32
    %lt3A_43 = arith.constant 128 : i32
    %lt3A_44 = arith.cmpi slt, %add3A_42, %lt3A_43 : i32
    %convert_element_type3A_45 = arith.extui %lt3A_44 : i1 to i32
    %cond3A_46 = arith.constant 0 : i32
    %cond3A_47 = arith.cmpi ne, %convert_element_type3A_45, %cond3A_46 : i32
    scf.if %cond3A_47 {
      %swap3A_158 = arith.index_cast %add3A_42 : i32 to index
      %swap3A_159 = tpu.vector_load %arg8[%swap3A_158] {strides = array<i32>} : memref<272xi32, #tpu.memory_space<vmem>>, vector<16xi32>,
      tpu.vector_store %arg8[%swap3A_158], %broadcast_in_dim3A_27 {strides = array<i32>} : memref<272xi32, #tpu.memory_space<vmem>>, vector<16xi32>,
      %swap3A_160 = arith.index_cast %add3A_42 : i32 to index
      %swap3A_161 = tpu.vector_load %arg9[%swap3A_160] {strides = array<i32>} : memref<272xi32, #tpu.memory_space<vmem>>, vector<16xi32>,
      tpu.vector_store %arg9[%swap3A_160], %broadcast_in_dim3A_29 {strides = array<i32>} : memref<272xi32, #tpu.memory_space<vmem>>, vector<16xi32>,
    } else {
    }
    %add3A_48 = arith.constant 48 : i32
    %add3A_49 = arith.addi %scan3A_24, %add3A_48 : i32
    %lt3A_50 = arith.constant 128 : i32
    %lt3A_51 = arith.cmpi slt, %add3A_49, %lt3A_50 : i32
    %convert_element_type3A_52 = arith.extui %lt3A_51 : i1 to i32
    %cond3A_53 = arith.constant 0 : i32
    %cond3A_54 = arith.cmpi ne, %convert_element_type3A_52, %cond3A_53 : i32
    scf.if %cond3A_54 {
      %swap3A_158 = arith.index_cast %add3A_49 : i32 to index
      %swap3A_159 = tpu.vector_load %arg8[%swap3A_158] {strides = array<i32>} : memref<272xi32, #tpu.memory_space<vmem>>, vector<16xi32>,
      tpu.vector_store %arg8[%swap3A_158], %broadcast_in_dim3A_27 {strides = array<i32>} : memref<272xi32, #tpu.memory_space<vmem>>, vector<16xi32>,
      %swap3A_160 = arith.index_cast %add3A_49 : i32 to index
      %swap3A_161 = tpu.vector_load %arg9[%swap3A_160] {strides = array<i32>} : memref<272xi32, #tpu.memory_space<vmem>>, vector<16xi32>,
      tpu.vector_store %arg9[%swap3A_160], %broadcast_in_dim3A_29 {strides = array<i32>} : memref<272xi32, #tpu.memory_space<vmem>>, vector<16xi32>,
    } else {
    }
    %add3A_55 = arith.constant 64 : i32
    %add3A_56 = arith.addi %scan3A_24, %add3A_55 : i32
    %lt3A_57 = arith.constant 128 : i32
    %lt3A_58 = arith.cmpi slt, %add3A_56, %lt3A_57 : i32
    %convert_element_type3A_59 = arith.extui %lt3A_58 : i1 to i32
    %cond3A_60 = arith.constant 0 : i32
    %cond3A_61 = arith.cmpi ne, %convert_element_type3A_59, %cond3A_60 : i32
    scf.if %cond3A_61 {
      %swap3A_158 = arith.index_cast %add3A_56 : i32 to index
      %swap3A_159 = tpu.vector_load %arg8[%swap3A_158] {strides = array<i32>} : memref<272xi32, #tpu.memory_space<vmem>>, vector<16xi32>,
      tpu.vector_store %arg8[%swap3A_158], %broadcast_in_dim3A_27 {strides = array<i32>} : memref<272xi32, #tpu.memory_space<vmem>>, vector<16xi32>,
      %swap3A_160 = arith.index_cast %add3A_56 : i32 to index
      %swap3A_161 = tpu.vector_load %arg9[%swap3A_160] {strides = array<i32>} : memref<272xi32, #tpu.memory_space<vmem>>, vector<16xi32>,
      tpu.vector_store %arg9[%swap3A_160], %broadcast_in_dim3A_29 {strides = array<i32>} : memref<272xi32, #tpu.memory_space<vmem>>, vector<16xi32>,
    } else {
    }
    %add3A_62 = arith.constant 80 : i32
    %add3A_63 = arith.addi %scan3A_24, %add3A_62 : i32
    %lt3A_64 = arith.constant 128 : i32
    %lt3A_65 = arith.cmpi slt, %add3A_63, %lt3A_64 : i32
    %convert_element_type3A_66 = arith.extui %lt3A_65 : i1 to i32
    %cond3A_67 = arith.constant 0 : i32
    %cond3A_68 = arith.cmpi ne, %convert_element_type3A_66, %cond3A_67 : i32
    scf.if %cond3A_68 {
      %swap3A_158 = arith.index_cast %add3A_63 : i32 to index
      %swap3A_159 = tpu.vector_load %arg8[%swap3A_158] {strides = array<i32>} : memref<272xi32, #tpu.memory_space<vmem>>, vector<16xi32>,
      tpu.vector_store %arg8[%swap3A_158], %broadcast_in_dim3A_27 {strides = array<i32>} : memref<272xi32, #tpu.memory_space<vmem>>, vector<16xi32>,
      %swap3A_160 = arith.index_cast %add3A_63 : i32 to index
      %swap3A_161 = tpu.vector_load %arg9[%swap3A_160] {strides = array<i32>} : memref<272xi32, #tpu.memory_space<vmem>>, vector<16xi32>,
      tpu.vector_store %arg9[%swap3A_160], %broadcast_in_dim3A_29 {strides = array<i32>} : memref<272xi32, #tpu.memory_space<vmem>>, vector<16xi32>,
    } else {
    }
    %add3A_69 = arith.constant 96 : i32
    %add3A_70 = arith.addi %scan3A_24, %add3A_69 : i32
    %lt3A_71 = arith.constant 128 : i32
    %lt3A_72 = arith.cmpi slt, %add3A_70, %lt3A_71 : i32
    %convert_element_type3A_73 = arith.extui %lt3A_72 : i1 to i32
    %cond3A_74 = arith.constant 0 : i32
    %cond3A_75 = arith.cmpi ne, %convert_element_type3A_73, %cond3A_74 : i32
    scf.if %cond3A_75 {
      %swap3A_158 = arith.index_cast %add3A_70 : i32 to index
      %swap3A_159 = tpu.vector_load %arg8[%swap3A_158] {strides = array<i32>} : memref<272xi32, #tpu.memory_space<vmem>>, vector<16xi32>,
      tpu.vector_store %arg8[%swap3A_158], %broadcast_in_dim3A_27 {strides = array<i32>} : memref<272xi32, #tpu.memory_space<vmem>>, vector<16xi32>,
      %swap3A_160 = arith.index_cast %add3A_70 : i32 to index
      %swap3A_161 = tpu.vector_load %arg9[%swap3A_160] {strides = array<i32>} : memref<272xi32, #tpu.memory_space<vmem>>, vector<16xi32>,
      tpu.vector_store %arg9[%swap3A_160], %broadcast_in_dim3A_29 {strides = array<i32>} : memref<272xi32, #tpu.memory_space<vmem>>, vector<16xi32>,
    } else {
    }
    %add3A_76 = arith.constant 112 : i32
    %add3A_77 = arith.addi %scan3A_24, %add3A_76 : i32
    %lt3A_78 = arith.constant 128 : i32
    %lt3A_79 = arith.cmpi slt, %add3A_77, %lt3A_78 : i32
    %convert_element_type3A_80 = arith.extui %lt3A_79 : i1 to i32
    %cond3A_81 = arith.constant 0 : i32
    %cond3A_82 = arith.cmpi ne, %convert_element_type3A_80, %cond3A_81 : i32
    scf.if %cond3A_82 {
      %swap3A_158 = arith.index_cast %add3A_77 : i32 to index
      %swap3A_159 = tpu.vector_load %arg8[%swap3A_158] {strides = array<i32>} : memref<272xi32, #tpu.memory_space<vmem>>, vector<16xi32>,
      tpu.vector_store %arg8[%swap3A_158], %broadcast_in_dim3A_27 {strides = array<i32>} : memref<272xi32, #tpu.memory_space<vmem>>, vector<16xi32>,
      %swap3A_160 = arith.index_cast %add3A_77 : i32 to index
      %swap3A_161 = tpu.vector_load %arg9[%swap3A_160] {strides = array<i32>} : memref<272xi32, #tpu.memory_space<vmem>>, vector<16xi32>,
      tpu.vector_store %arg9[%swap3A_160], %broadcast_in_dim3A_29 {strides = array<i32>} : memref<272xi32, #tpu.memory_space<vmem>>, vector<16xi32>,
    } else {
    }
    %get3A = arith.constant 0 : index
    %get3A_83 = tpu.vector_load %arg8[%get3A] {strides = array<i32>} : memref<272xi32, #tpu.memory_space<vmem>>, vector<16xi32>,
    %swap3A = arith.constant 0 : index
    %swap3A_84 = tpu.vector_load %arg10[%swap3A] {strides = array<i32>} : memref<128xi32, #tpu.memory_space<vmem>>, vector<16xi32>,
    tpu.vector_store %arg10[%swap3A], %get3A_83 {strides = array<i32>} : memref<128xi32, #tpu.memory_space<vmem>>, vector<16xi32>,
    %get3A_85 = arith.constant 0 : index
    %get3A_86 = tpu.vector_load %arg9[%get3A_85] {strides = array<i32>} : memref<272xi32, #tpu.memory_space<vmem>>, vector<16xi32>,
    %swap3A_87 = arith.constant 0 : index
    %swap3A_88 = tpu.vector_load %arg11[%swap3A_87] {strides = array<i32>} : memref<128xi32, #tpu.memory_space<vmem>>, vector<16xi32>,
    tpu.vector_store %arg11[%swap3A_87], %get3A_86 {strides = array<i32>} : memref<128xi32, #tpu.memory_space<vmem>>, vector<16xi32>,
    %get3A_89 = arith.constant 16 : index
    %get3A_90 = tpu.vector_load %arg8[%get3A_89] {strides = array<i32>} : memref<272xi32, #tpu.memory_space<vmem>>, vector<16xi32>,
    %swap3A_91 = arith.constant 16 : index
    %swap3A_92 = tpu.vector_load %arg10[%swap3A_91] {strides = array<i32>} : memref<128xi32, #tpu.memory_space<vmem>>, vector<16xi32>,
    tpu.vector_store %arg10[%swap3A_91], %get3A_90 {strides = array<i32>} : memref<128xi32, #tpu.memory_space<vmem>>, vector<16xi32>,
    %get3A_93 = arith.constant 16 : index
    %get3A_94 = tpu.vector_load %arg9[%get3A_93] {strides = array<i32>} : memref<272xi32, #tpu.memory_space<vmem>>, vector<16xi32>,
    %swap3A_95 = arith.constant 16 : index
    %swap3A_96 = tpu.vector_load %arg11[%swap3A_95] {strides = array<i32>} : memref<128xi32, #tpu.memory_space<vmem>>, vector<16xi32>,
    tpu.vector_store %arg11[%swap3A_95], %get3A_94 {strides = array<i32>} : memref<128xi32, #tpu.memory_space<vmem>>, vector<16xi32>,
    %get3A_97 = arith.constant 32 : index
    %get3A_98 = tpu.vector_load %arg8[%get3A_97] {strides = array<i32>} : memref<272xi32, #tpu.memory_space<vmem>>, vector<16xi32>,
    %swap3A_99 = arith.constant 32 : index
    %swap3A_100 = tpu.vector_load %arg10[%swap3A_99] {strides = array<i32>} : memref<128xi32, #tpu.memory_space<vmem>>, vector<16xi32>,
    tpu.vector_store %arg10[%swap3A_99], %get3A_98 {strides = array<i32>} : memref<128xi32, #tpu.memory_space<vmem>>, vector<16xi32>,
    %get3A_101 = arith.constant 32 : index
    %get3A_102 = tpu.vector_load %arg9[%get3A_101] {strides = array<i32>} : memref<272xi32, #tpu.memory_space<vmem>>, vector<16xi32>,
    %swap3A_103 = arith.constant 32 : index
    %swap3A_104 = tpu.vector_load %arg11[%swap3A_103] {strides = array<i32>} : memref<128xi32, #tpu.memory_space<vmem>>, vector<16xi32>,
    tpu.vector_store %arg11[%swap3A_103], %get3A_102 {strides = array<i32>} : memref<128xi32, #tpu.memory_space<vmem>>, vector<16xi32>,
    %get3A_105 = arith.constant 48 : index
    %get3A_106 = tpu.vector_load %arg8[%get3A_105] {strides = array<i32>} : memref<272xi32, #tpu.memory_space<vmem>>, vector<16xi32>,
    %swap3A_107 = arith.constant 48 : index
    %swap3A_108 = tpu.vector_load %arg10[%swap3A_107] {strides = array<i32>} : memref<128xi32, #tpu.memory_space<vmem>>, vector<16xi32>,
    tpu.vector_store %arg10[%swap3A_107], %get3A_106 {strides = array<i32>} : memref<128xi32, #tpu.memory_space<vmem>>, vector<16xi32>,
    %get3A_109 = arith.constant 48 : index
    %get3A_110 = tpu.vector_load %arg9[%get3A_109] {strides = array<i32>} : memref<272xi32, #tpu.memory_space<vmem>>, vector<16xi32>,
    %swap3A_111 = arith.constant 48 : index
    %swap3A_112 = tpu.vector_load %arg11[%swap3A_111] {strides = array<i32>} : memref<128xi32, #tpu.memory_space<vmem>>, vector<16xi32>,
    tpu.vector_store %arg11[%swap3A_111], %get3A_110 {strides = array<i32>} : memref<128xi32, #tpu.memory_space<vmem>>, vector<16xi32>,
    %get3A_113 = arith.constant 64 : index
    %get3A_114 = tpu.vector_load %arg8[%get3A_113] {strides = array<i32>} : memref<272xi32, #tpu.memory_space<vmem>>, vector<16xi32>,
    %swap3A_115 = arith.constant 64 : index
    %swap3A_116 = tpu.vector_load %arg10[%swap3A_115] {strides = array<i32>} : memref<128xi32, #tpu.memory_space<vmem>>, vector<16xi32>,
    tpu.vector_store %arg10[%swap3A_115], %get3A_114 {strides = array<i32>} : memref<128xi32, #tpu.memory_space<vmem>>, vector<16xi32>,
    %get3A_117 = arith.constant 64 : index
    %get3A_118 = tpu.vector_load %arg9[%get3A_117] {strides = array<i32>} : memref<272xi32, #tpu.memory_space<vmem>>, vector<16xi32>,
    %swap3A_119 = arith.constant 64 : index
    %swap3A_120 = tpu.vector_load %arg11[%swap3A_119] {strides = array<i32>} : memref<128xi32, #tpu.memory_space<vmem>>, vector<16xi32>,
    tpu.vector_store %arg11[%swap3A_119], %get3A_118 {strides = array<i32>} : memref<128xi32, #tpu.memory_space<vmem>>, vector<16xi32>,
    %get3A_121 = arith.constant 80 : index
    %get3A_122 = tpu.vector_load %arg8[%get3A_121] {strides = array<i32>} : memref<272xi32, #tpu.memory_space<vmem>>, vector<16xi32>,
    %swap3A_123 = arith.constant 80 : index
    %swap3A_124 = tpu.vector_load %arg10[%swap3A_123] {strides = array<i32>} : memref<128xi32, #tpu.memory_space<vmem>>, vector<16xi32>,
    tpu.vector_store %arg10[%swap3A_123], %get3A_122 {strides = array<i32>} : memref<128xi32, #tpu.memory_space<vmem>>, vector<16xi32>,
    %get3A_125 = arith.constant 80 : index
    %get3A_126 = tpu.vector_load %arg9[%get3A_125] {strides = array<i32>} : memref<272xi32, #tpu.memory_space<vmem>>, vector<16xi32>,
    %swap3A_127 = arith.constant 80 : index
    %swap3A_128 = tpu.vector_load %arg11[%swap3A_127] {strides = array<i32>} : memref<128xi32, #tpu.memory_space<vmem>>, vector<16xi32>,
    tpu.vector_store %arg11[%swap3A_127], %get3A_126 {strides = array<i32>} : memref<128xi32, #tpu.memory_space<vmem>>, vector<16xi32>,
    %get3A_129 = arith.constant 96 : index
    %get3A_130 = tpu.vector_load %arg8[%get3A_129] {strides = array<i32>} : memref<272xi32, #tpu.memory_space<vmem>>, vector<16xi32>,
    %swap3A_131 = arith.constant 96 : index
    %swap3A_132 = tpu.vector_load %arg10[%swap3A_131] {strides = array<i32>} : memref<128xi32, #tpu.memory_space<vmem>>, vector<16xi32>,
    tpu.vector_store %arg10[%swap3A_131], %get3A_130 {strides = array<i32>} : memref<128xi32, #tpu.memory_space<vmem>>, vector<16xi32>,
    %get3A_133 = arith.constant 96 : index
    %get3A_134 = tpu.vector_load %arg9[%get3A_133] {strides = array<i32>} : memref<272xi32, #tpu.memory_space<vmem>>, vector<16xi32>,
    %swap3A_135 = arith.constant 96 : index
    %swap3A_136 = tpu.vector_load %arg11[%swap3A_135] {strides = array<i32>} : memref<128xi32, #tpu.memory_space<vmem>>, vector<16xi32>,
    tpu.vector_store %arg11[%swap3A_135], %get3A_134 {strides = array<i32>} : memref<128xi32, #tpu.memory_space<vmem>>, vector<16xi32>,
    %get3A_137 = arith.constant 112 : index
    %get3A_138 = tpu.vector_load %arg8[%get3A_137] {strides = array<i32>} : memref<272xi32, #tpu.memory_space<vmem>>, vector<16xi32>,
    %swap3A_139 = arith.constant 112 : index
    %swap3A_140 = tpu.vector_load %arg10[%swap3A_139] {strides = array<i32>} : memref<128xi32, #tpu.memory_space<vmem>>, vector<16xi32>,
    tpu.vector_store %arg10[%swap3A_139], %get3A_138 {strides = array<i32>} : memref<128xi32, #tpu.memory_space<vmem>>, vector<16xi32>,
    %get3A_141 = arith.constant 112 : index
    %get3A_142 = tpu.vector_load %arg9[%get3A_141] {strides = array<i32>} : memref<272xi32, #tpu.memory_space<vmem>>, vector<16xi32>,
    %swap3A_143 = arith.constant 112 : index
    %swap3A_144 = tpu.vector_load %arg11[%swap3A_143] {strides = array<i32>} : memref<128xi32, #tpu.memory_space<vmem>>, vector<16xi32>,
    tpu.vector_store %arg11[%swap3A_143], %get3A_142 {strides = array<i32>} : memref<128xi32, #tpu.memory_space<vmem>>, vector<16xi32>,
    %dma_start3A = arith.constant 0 : i32
    %dma_start3A_145 = arith.constant 0 : i32
    %dma_start3A_146 = tpu.memref_slice %arg2[%dma_start3A, %dma_start3A_145] : memref<98304x16xf32, #tpu.memory_space<hbm>> -> memref<98304x16xf32, #tpu.memory_space<hbm>>
    tpu.enqueue_indirect_dma source(%dma_start3A_146 : memref<98304x16xf32, #tpu.memory_space<hbm>>) target(%arg12 : memref<128x16xf32, #tpu.memory_space<vmem>>) offsets(%arg10 : memref<128xi32, #tpu.memory_space<vmem>>) semaphore(%arg17 : memref<!tpu.dma_semaphore, #tpu.memory_space<semaphore_mem>>)
    %dma_wait3A = arith.constant 0 : i32
    %dma_wait3A_147 = arith.constant 0 : i32
    %dma_wait3A_148 = tpu.memref_slice %arg2[%dma_wait3A, %dma_wait3A_147] : memref<98304x16xf32, #tpu.memory_space<hbm>> -> memref<98304x16xf32, #tpu.memory_space<hbm>>
    tpu.wait_indirect_dma semaphore(%arg17 : memref<!tpu.dma_semaphore, #tpu.memory_space<semaphore_mem>>) src(%dma_wait3A_148 : memref<98304x16xf32, #tpu.memory_space<hbm>>) dst(%arg12 : memref<128x16xf32, #tpu.memory_space<vmem>>)
    "tpu.region"() ({
      %run_scoped3A = tpu.sem_alloc : memref<!tpu.dma_semaphore, #tpu.memory_space<semaphore_mem>>
      %dma_start3A_158 = arith.constant 0 : i32
      %dma_start3A_159 = arith.constant 0 : i32
      %dma_start3A_160 = tpu.memref_slice %arg15[%dma_start3A_158, %dma_start3A_159] : memref<6400x16xf32, #tpu.memory_space<vmem_shared>> -> memref<6400x16xf32, #tpu.memory_space<vmem_shared>>
      tpu.enqueue_indirect_dma source(%arg12 : memref<128x16xf32, #tpu.memory_space<vmem>>) target(%dma_start3A_160 : memref<6400x16xf32, #tpu.memory_space<vmem_shared>>) offsets(%arg11 : memref<128xi32, #tpu.memory_space<vmem>>) semaphore(%run_scoped3A : memref<!tpu.dma_semaphore, #tpu.memory_space<semaphore_mem>>) {add = true}
      %dma_wait3A_161 = arith.constant 0 : i32
      %dma_wait3A_162 = arith.constant 0 : i32
      %dma_wait3A_163 = tpu.memref_slice %arg15[%dma_wait3A_161, %dma_wait3A_162] : memref<6400x16xf32, #tpu.memory_space<vmem_shared>> -> memref<6400x16xf32, #tpu.memory_space<vmem_shared>>
      tpu.wait_indirect_dma semaphore(%run_scoped3A : memref<!tpu.dma_semaphore, #tpu.memory_space<semaphore_mem>>) src(%arg12 : memref<128x16xf32, #tpu.memory_space<vmem>>) dst(%dma_wait3A_163 : memref<6400x16xf32, #tpu.memory_space<vmem_shared>>)
      tpu.yield
    }) : () -> ()
    "tpu.region"() ({
      %run_scoped3A = tpu.sem_alloc : memref<!tpu.dma_semaphore, #tpu.memory_space<semaphore_mem>>
      %dma_start3A_158 = arith.constant 0 : i32
      %dma_start3A_159 = arith.constant 0 : i32
      %dma_start3A_160 = tpu.memref_slice %arg16[%dma_start3A_158, %dma_start3A_159] : memref<6400x16xf32, #tpu.memory_space<vmem_shared>> -> memref<6400x16xf32, #tpu.memory_space<vmem_shared>>
      tpu.enqueue_indirect_dma source(%arg13 : memref<128x16xf32, #tpu.memory_space<vmem>>) target(%dma_start3A_160 : memref<6400x16xf32, #tpu.memory_space<vmem_shared>>) offsets(%arg11 : memref<128xi32, #tpu.memory_space<vmem>>) semaphore(%run_scoped3A : memref<!tpu.dma_semaphore, #tpu.memory_space<semaphore_mem>>) {add = true}
      %dma_wait3A_161 = arith.constant 0 : i32
      %dma_wait3A_162 = arith.constant 0 : i32
      %dma_wait3A_163 = tpu.memref_slice %arg16[%dma_wait3A_161, %dma_wait3A_162] : memref<6400x16xf32, #tpu.memory_space<vmem_shared>> -> memref<6400x16xf32, #tpu.memory_space<vmem_shared>>
      tpu.wait_indirect_dma semaphore(%run_scoped3A : memref<!tpu.dma_semaphore, #tpu.memory_space<semaphore_mem>>) src(%arg13 : memref<128x16xf32, #tpu.memory_space<vmem>>) dst(%dma_wait3A_163 : memref<6400x16xf32, #tpu.memory_space<vmem_shared>>)
      tpu.yield
    }) : () -> ()
    %barrier3A_149 = arith.constant 0 : index
    tpu.barrier barrier_id(%barrier3A_149)
    %mul3A_150 = arith.constant 400 : i32
    %mul3A_151 = arith.muli %arg1, %mul3A_150 : i32
    %mul3A_152 = arith.constant 400 : i32
    %mul3A_153 = arith.muli %arg1, %mul3A_152 : i32
    "tpu.region"() ({
      %run_scoped3A = tpu.sem_alloc : memref<!tpu.dma_semaphore, #tpu.memory_space<semaphore_mem>>
      %dma_start3A_158 = arith.constant 0 : i32
      %dma_start3A_159 = tpu.memref_slice %arg4[%arg0, %mul3A_153, %dma_start3A_158] : memref<2x6400x16xf32, #tpu.memory_space<hbm>> -> memref<1x400x16xf32, #tpu.memory_space<hbm>>
      %dma_start3A_160 = tpu.memref_squeeze %dma_start3A_159 : memref<1x400x16xf32, #tpu.memory_space<hbm>> -> memref<400x16xf32, #tpu.memory_space<hbm>>
      %dma_start3A_161 = arith.constant 0 : i32
      %dma_start3A_162 = tpu.memref_slice %arg15[%mul3A_151, %dma_start3A_161] : memref<6400x16xf32, #tpu.memory_space<vmem_shared>> -> memref<400x16xf32, #tpu.memory_space<vmem_shared>>
      tpu.enqueue_dma source(%dma_start3A_162 : memref<400x16xf32, #tpu.memory_space<vmem_shared>>) target(%dma_start3A_160 : memref<400x16xf32, #tpu.memory_space<hbm>>) target_semaphore(%run_scoped3A : memref<!tpu.dma_semaphore, #tpu.memory_space<semaphore_mem>>)
      %dma_wait3A_163 = arith.constant 0 : i32
      %dma_wait3A_164 = tpu.memref_slice %arg4[%arg0, %mul3A_153, %dma_wait3A_163] : memref<2x6400x16xf32, #tpu.memory_space<hbm>> -> memref<1x400x16xf32, #tpu.memory_space<hbm>>
      %dma_wait3A_165 = tpu.memref_squeeze %dma_wait3A_164 : memref<1x400x16xf32, #tpu.memory_space<hbm>> -> memref<400x16xf32, #tpu.memory_space<hbm>>
      %dma_wait3A_166 = arith.constant 0 : i32
      %dma_wait3A_167 = tpu.memref_slice %arg15[%mul3A_151, %dma_wait3A_166] : memref<6400x16xf32, #tpu.memory_space<vmem_shared>> -> memref<400x16xf32, #tpu.memory_space<vmem_shared>>
      tpu.wait_dma2 semaphore(%run_scoped3A : memref<!tpu.dma_semaphore, #tpu.memory_space<semaphore_mem>>) src(%dma_wait3A_167 : memref<400x16xf32, #tpu.memory_space<vmem_shared>>) dst(%dma_wait3A_165 : memref<400x16xf32, #tpu.memory_space<hbm>>)
      tpu.yield
    }) : () -> ()
    %mul3A_154 = arith.constant 400 : i32
    %mul3A_155 = arith.muli %arg1, %mul3A_154 : i32
    %mul3A_156 = arith.constant 400 : i32
    %mul3A_157 = arith.muli %arg1, %mul3A_156 : i32
    "tpu.region"() ({
      %run_scoped3A = tpu.sem_alloc : memref<!tpu.dma_semaphore, #tpu.memory_space<semaphore_mem>>
      %dma_start3A_158 = arith.constant 0 : i32
      %dma_start3A_159 = tpu.memref_slice %arg5[%arg0, %mul3A_157, %dma_start3A_158] : memref<2x6400x16xf32, #tpu.memory_space<hbm>> -> memref<1x400x16xf32, #tpu.memory_space<hbm>>
      %dma_start3A_160 = tpu.memref_squeeze %dma_start3A_159 : memref<1x400x16xf32, #tpu.memory_space<hbm>> -> memref<400x16xf32, #tpu.memory_space<hbm>>
      %dma_start3A_161 = arith.constant 0 : i32
      %dma_start3A_162 = tpu.memref_slice %arg16[%mul3A_155, %dma_start3A_161] : memref<6400x16xf32, #tpu.memory_space<vmem_shared>> -> memref<400x16xf32, #tpu.memory_space<vmem_shared>>
      tpu.enqueue_dma source(%dma_start3A_162 : memref<400x16xf32, #tpu.memory_space<vmem_shared>>) target(%dma_start3A_160 : memref<400x16xf32, #tpu.memory_space<hbm>>) target_semaphore(%run_scoped3A : memref<!tpu.dma_semaphore, #tpu.memory_space<semaphore_mem>>)
      %dma_wait3A_163 = arith.constant 0 : i32
      %dma_wait3A_164 = tpu.memref_slice %arg5[%arg0, %mul3A_157, %dma_wait3A_163] : memref<2x6400x16xf32, #tpu.memory_space<hbm>> -> memref<1x400x16xf32, #tpu.memory_space<hbm>>
      %dma_wait3A_165 = tpu.memref_squeeze %dma_wait3A_164 : memref<1x400x16xf32, #tpu.memory_space<hbm>> -> memref<400x16xf32, #tpu.memory_space<hbm>>
      %dma_wait3A_166 = arith.constant 0 : i32
      %dma_wait3A_167 = tpu.memref_slice %arg16[%mul3A_155, %dma_wait3A_166] : memref<6400x16xf32, #tpu.memory_space<vmem_shared>> -> memref<400x16xf32, #tpu.memory_space<vmem_shared>>
      tpu.wait_dma2 semaphore(%run_scoped3A : memref<!tpu.dma_semaphore, #tpu.memory_space<semaphore_mem>>) src(%dma_wait3A_167 : memref<400x16xf32, #tpu.memory_space<vmem_shared>>) dst(%dma_wait3A_165 : memref<400x16xf32, #tpu.memory_space<hbm>>)
      tpu.yield
    }) : () -> ()
    return
  }
}

module attributes {stable_mosaic.version = 14 : i64} {
  func.func @_embed_body_whole(%arg0: memref<3840x256xf32, #tpu.memory_space<vmem>>, %arg1: memref<5120x128xf32, #tpu.memory_space<vmem>>, %arg2: memref<2560x128xf32, #tpu.memory_space<vmem>>, %arg3: memref<768x64xf32, #tpu.memory_space<vmem>>, %arg4: memref<256x128xf32, #tpu.memory_space<vmem>>, %arg5: memref<128x128xf32, #tpu.memory_space<vmem>>, %arg6: memref<128x128xf32, #tpu.memory_space<vmem>>, %arg7: memref<64x128xf32, #tpu.memory_space<vmem>>, %arg8: memref<1x128xf32, #tpu.memory_space<vmem>>, %arg9: memref<1x128xf32, #tpu.memory_space<vmem>>, %arg10: memref<1x128xf32, #tpu.memory_space<vmem>>, %arg11: memref<1x128xf32, #tpu.memory_space<vmem>>, %arg12: memref<12288x128xf32, #tpu.memory_space<vmem>>) attributes {dimension_semantics = [], scalar_prefetch = 0 : i64, scratch_operands = 0 : i64, tpu.core_type = #tpu.core_type<tc>} {
    %get3A = arith.constant 0 : index
    %get3A_0 = arith.constant 0 : index
    %get3A_1 = vector.load %arg0[%get3A, %get3A_0] : memref<3840x256xf32, #tpu.memory_space<vmem>>, vector<3840x256xf32>
    %get3A_2 = arith.constant 0 : index
    %get3A_3 = arith.constant 0 : index
    %get3A_4 = vector.load %arg4[%get3A_2, %get3A_3] : memref<256x128xf32, #tpu.memory_space<vmem>>, vector<256x128xf32>
    %dot_general3A = arith.constant dense<0.000000e+00> : vector<3840x128xf32>
    %dot_general3A_5 = tpu.matmul %get3A_1, %get3A_4, %dot_general3A {dimension_numbers = #tpu.dot_dimension_numbers<[1], [0], [0], [1], [0, 0, 1, 1], [], []>, transpose_lhs_hint = false} : vector<3840x256xf32>, vector<256x128xf32>, vector<3840x128xf32> -> vector<3840x128xf32>
    %get3A_6 = arith.constant 0 : index
    %get3A_7 = arith.constant 0 : index
    %get3A_8 = vector.load %arg8[%get3A_6, %get3A_7] : memref<1x128xf32, #tpu.memory_space<vmem>>, vector<1x128xf32>
    %add3A = vector.broadcast %get3A_8 : vector<1x128xf32> to vector<3840x128xf32>
    %add3A_9 = arith.addf %dot_general3A_5, %add3A : vector<3840x128xf32>
    %swap3A = arith.constant 0 : index
    %swap3A_10 = arith.constant 0 : index
    %swap3A_11 = vector.load %arg12[%swap3A, %swap3A_10] : memref<12288x128xf32, #tpu.memory_space<vmem>>, vector<3840x128xf32>
    tpu.vector_store %arg12[%swap3A, %swap3A_10], %add3A_9 {strides = array<i32>} : memref<12288x128xf32, #tpu.memory_space<vmem>>, vector<3840x128xf32>,
    %get3A_12 = arith.constant 0 : index
    %get3A_13 = arith.constant 0 : index
    %get3A_14 = vector.load %arg1[%get3A_12, %get3A_13] : memref<5120x128xf32, #tpu.memory_space<vmem>>, vector<5120x128xf32>
    %get3A_15 = arith.constant 0 : index
    %get3A_16 = arith.constant 0 : index
    %get3A_17 = vector.load %arg5[%get3A_15, %get3A_16] : memref<128x128xf32, #tpu.memory_space<vmem>>, vector<128x128xf32>
    %dot_general3A_18 = arith.constant dense<0.000000e+00> : vector<5120x128xf32>
    %dot_general3A_19 = tpu.matmul %get3A_14, %get3A_17, %dot_general3A_18 {dimension_numbers = #tpu.dot_dimension_numbers<[1], [0], [0], [1], [0, 0, 1, 1], [], []>, transpose_lhs_hint = false} : vector<5120x128xf32>, vector<128x128xf32>, vector<5120x128xf32> -> vector<5120x128xf32>
    %get3A_20 = arith.constant 0 : index
    %get3A_21 = arith.constant 0 : index
    %get3A_22 = vector.load %arg9[%get3A_20, %get3A_21] : memref<1x128xf32, #tpu.memory_space<vmem>>, vector<1x128xf32>
    %add3A_23 = vector.broadcast %get3A_22 : vector<1x128xf32> to vector<5120x128xf32>
    %add3A_24 = arith.addf %dot_general3A_19, %add3A_23 : vector<5120x128xf32>
    %swap3A_25 = arith.constant 3840 : index
    %swap3A_26 = arith.constant 0 : index
    %swap3A_27 = vector.load %arg12[%swap3A_25, %swap3A_26] : memref<12288x128xf32, #tpu.memory_space<vmem>>, vector<5120x128xf32>
    tpu.vector_store %arg12[%swap3A_25, %swap3A_26], %add3A_24 {strides = array<i32>} : memref<12288x128xf32, #tpu.memory_space<vmem>>, vector<5120x128xf32>,
    %get3A_28 = arith.constant 0 : index
    %get3A_29 = arith.constant 0 : index
    %get3A_30 = vector.load %arg2[%get3A_28, %get3A_29] : memref<2560x128xf32, #tpu.memory_space<vmem>>, vector<2560x128xf32>
    %get3A_31 = arith.constant 0 : index
    %get3A_32 = arith.constant 0 : index
    %get3A_33 = vector.load %arg6[%get3A_31, %get3A_32] : memref<128x128xf32, #tpu.memory_space<vmem>>, vector<128x128xf32>
    %dot_general3A_34 = arith.constant dense<0.000000e+00> : vector<2560x128xf32>
    %dot_general3A_35 = tpu.matmul %get3A_30, %get3A_33, %dot_general3A_34 {dimension_numbers = #tpu.dot_dimension_numbers<[1], [0], [0], [1], [0, 0, 1, 1], [], []>, transpose_lhs_hint = false} : vector<2560x128xf32>, vector<128x128xf32>, vector<2560x128xf32> -> vector<2560x128xf32>
    %get3A_36 = arith.constant 0 : index
    %get3A_37 = arith.constant 0 : index
    %get3A_38 = vector.load %arg10[%get3A_36, %get3A_37] : memref<1x128xf32, #tpu.memory_space<vmem>>, vector<1x128xf32>
    %add3A_39 = vector.broadcast %get3A_38 : vector<1x128xf32> to vector<2560x128xf32>
    %add3A_40 = arith.addf %dot_general3A_35, %add3A_39 : vector<2560x128xf32>
    %swap3A_41 = arith.constant 8960 : index
    %swap3A_42 = arith.constant 0 : index
    %swap3A_43 = vector.load %arg12[%swap3A_41, %swap3A_42] : memref<12288x128xf32, #tpu.memory_space<vmem>>, vector<2560x128xf32>
    tpu.vector_store %arg12[%swap3A_41, %swap3A_42], %add3A_40 {strides = array<i32>} : memref<12288x128xf32, #tpu.memory_space<vmem>>, vector<2560x128xf32>,
    %get3A_44 = arith.constant 0 : index
    %get3A_45 = arith.constant 0 : index
    %get3A_46 = vector.load %arg3[%get3A_44, %get3A_45] : memref<768x64xf32, #tpu.memory_space<vmem>>, vector<768x64xf32>
    %get3A_47 = arith.constant 0 : index
    %get3A_48 = arith.constant 0 : index
    %get3A_49 = vector.load %arg7[%get3A_47, %get3A_48] : memref<64x128xf32, #tpu.memory_space<vmem>>, vector<64x128xf32>
    %dot_general3A_50 = arith.constant dense<0.000000e+00> : vector<768x128xf32>
    %dot_general3A_51 = tpu.matmul %get3A_46, %get3A_49, %dot_general3A_50 {dimension_numbers = #tpu.dot_dimension_numbers<[1], [0], [0], [1], [0, 0, 1, 1], [], []>, transpose_lhs_hint = false} : vector<768x64xf32>, vector<64x128xf32>, vector<768x128xf32> -> vector<768x128xf32>
    %get3A_52 = arith.constant 0 : index
    %get3A_53 = arith.constant 0 : index
    %get3A_54 = vector.load %arg11[%get3A_52, %get3A_53] : memref<1x128xf32, #tpu.memory_space<vmem>>, vector<1x128xf32>
    %add3A_55 = vector.broadcast %get3A_54 : vector<1x128xf32> to vector<768x128xf32>
    %add3A_56 = arith.addf %dot_general3A_51, %add3A_55 : vector<768x128xf32>
    %swap3A_57 = arith.constant 11520 : index
    %swap3A_58 = arith.constant 0 : index
    %swap3A_59 = vector.load %arg12[%swap3A_57, %swap3A_58] : memref<12288x128xf32, #tpu.memory_space<vmem>>, vector<768x128xf32>
    tpu.vector_store %arg12[%swap3A_57, %swap3A_58], %add3A_56 {strides = array<i32>} : memref<12288x128xf32, #tpu.memory_space<vmem>>, vector<768x128xf32>,
    return
  }
}

module attributes {stable_mosaic.version = 14 : i64} {
  func.func @_epi_body(%arg0: memref<2x800x128xf32, #tpu.memory_space<vmem>>, %arg1: memref<2x800x128xf32, #tpu.memory_space<vmem>>, %arg2: memref<768x128xf32, #tpu.memory_space<vmem>>, %arg3: memref<128x128xf32, #tpu.memory_space<vmem>>, %arg4: memref<128x128xf32, #tpu.memory_space<vmem>>, %arg5: memref<128x16xf32, #tpu.memory_space<vmem>>, %arg6: memref<128x16xf32, #tpu.memory_space<vmem>>, %arg7: memref<768x128xf32, #tpu.memory_space<vmem>>, %arg8: memref<768x128xf32, #tpu.memory_space<vmem>>, %arg9: memref<128x8xf32, #tpu.memory_space<vmem>>, %arg10: memref<1x128xf32, #tpu.memory_space<vmem>>, %arg11: memref<1x16xf32, #tpu.memory_space<vmem>>, %arg12: memref<768x16xf32, #tpu.memory_space<vmem>>, %arg13: memref<768x8xf32, #tpu.memory_space<vmem>>) attributes {dimension_semantics = [], scalar_prefetch = 0 : i64, scratch_operands = 0 : i64, tpu.core_type = #tpu.core_type<tc>} {
    %get3A = arith.constant 0 : index
    %get3A_0 = arith.constant 0 : index
    %get3A_1 = arith.constant 0 : index
    %get3A_2 = vector.load %arg0[%get3A, %get3A_0, %get3A_1] : memref<2x800x128xf32, #tpu.memory_space<vmem>>, vector<1x768x128xf32>
    %get3A_3 = vector.shape_cast %get3A_2 : vector<1x768x128xf32> to vector<768x128xf32>
    %get3A_4 = arith.constant 1 : index
    %get3A_5 = arith.constant 0 : index
    %get3A_6 = arith.constant 0 : index
    %get3A_7 = vector.load %arg0[%get3A_4, %get3A_5, %get3A_6] : memref<2x800x128xf32, #tpu.memory_space<vmem>>, vector<1x768x128xf32>
    %get3A_8 = vector.shape_cast %get3A_7 : vector<1x768x128xf32> to vector<768x128xf32>
    %add3A = arith.addf %get3A_3, %get3A_8 : vector<768x128xf32>
    %get3A_9 = arith.constant 0 : index
    %get3A_10 = arith.constant 0 : index
    %get3A_11 = arith.constant 0 : index
    %get3A_12 = vector.load %arg1[%get3A_9, %get3A_10, %get3A_11] : memref<2x800x128xf32, #tpu.memory_space<vmem>>, vector<1x768x128xf32>
    %get3A_13 = vector.shape_cast %get3A_12 : vector<1x768x128xf32> to vector<768x128xf32>
    %get3A_14 = arith.constant 1 : index
    %get3A_15 = arith.constant 0 : index
    %get3A_16 = arith.constant 0 : index
    %get3A_17 = vector.load %arg1[%get3A_14, %get3A_15, %get3A_16] : memref<2x800x128xf32, #tpu.memory_space<vmem>>, vector<1x768x128xf32>
    %get3A_18 = vector.shape_cast %get3A_17 : vector<1x768x128xf32> to vector<768x128xf32>
    %add3A_19 = arith.addf %get3A_13, %get3A_18 : vector<768x128xf32>
    %max3A = arith.constant 1.000000e+00 : f32
    %max3A_20 = vector.broadcast %max3A : f32 to vector<768x128xf32>
    %max3A_21 = arith.maximumf %add3A_19, %max3A_20 : vector<768x128xf32>
    %div3A = arith.divf %add3A, %max3A_21 : vector<768x128xf32>
    %get3A_22 = arith.constant 0 : index
    %get3A_23 = arith.constant 0 : index
    %get3A_24 = vector.load %arg2[%get3A_22, %get3A_23] : memref<768x128xf32, #tpu.memory_space<vmem>>, vector<768x128xf32>
    %get3A_25 = arith.constant 0 : index
    %get3A_26 = arith.constant 0 : index
    %get3A_27 = vector.load %arg3[%get3A_25, %get3A_26] : memref<128x128xf32, #tpu.memory_space<vmem>>, vector<128x128xf32>
    %dot_general3A = arith.constant dense<0.000000e+00> : vector<768x128xf32>
    %dot_general3A_28 = tpu.matmul %get3A_24, %get3A_27, %dot_general3A {dimension_numbers = #tpu.dot_dimension_numbers<[1], [0], [0], [1], [0, 0, 1, 1], [], []>, transpose_lhs_hint = false} : vector<768x128xf32>, vector<128x128xf32>, vector<768x128xf32> -> vector<768x128xf32>
    %get3A_29 = arith.constant 0 : index
    %get3A_30 = arith.constant 0 : index
    %get3A_31 = vector.load %arg10[%get3A_29, %get3A_30] : memref<1x128xf32, #tpu.memory_space<vmem>>, vector<1x128xf32>
    %add3A_32 = vector.broadcast %get3A_31 : vector<1x128xf32> to vector<768x128xf32>
    %add3A_33 = arith.addf %dot_general3A_28, %add3A_32 : vector<768x128xf32>
    %gt3A = arith.constant 0.000000e+00 : f32
    %gt3A_34 = vector.broadcast %gt3A : f32 to vector<768x128xf32>
    %gt3A_35 = arith.cmpf ogt, %add3A_19, %gt3A_34 : vector<768x128xf32>
    %jit3A = arith.constant 0.000000e+00 : f32
    %broadcast_in_dim3A = vector.broadcast %jit3A : f32 to vector<768x128xf32>
    %select_n3A = arith.select %gt3A_35, %add3A_33, %broadcast_in_dim3A : vector<768x128xi1>, vector<768x128xf32>
    %get3A_36 = arith.constant 0 : index
    %get3A_37 = arith.constant 0 : index
    %get3A_38 = vector.load %arg4[%get3A_36, %get3A_37] : memref<128x128xf32, #tpu.memory_space<vmem>>, vector<128x128xf32>
    %dot_general3A_39 = arith.constant dense<0.000000e+00> : vector<768x128xf32>
    %dot_general3A_40 = tpu.matmul %div3A, %get3A_38, %dot_general3A_39 {dimension_numbers = #tpu.dot_dimension_numbers<[1], [0], [0], [1], [0, 0, 1, 1], [], []>, transpose_lhs_hint = false} : vector<768x128xf32>, vector<128x128xf32>, vector<768x128xf32> -> vector<768x128xf32>
    %add3A_41 = arith.addf %select_n3A, %dot_general3A_40 : vector<768x128xf32>
    %max3A_42 = arith.constant 0.000000e+00 : f32
    %max3A_43 = vector.broadcast %max3A_42 : f32 to vector<768x128xf32>
    %max3A_44 = arith.maximumf %add3A_41, %max3A_43 : vector<768x128xf32>
    %get3A_45 = arith.constant 0 : index
    %get3A_46 = arith.constant 0 : index
    %get3A_47 = vector.load %arg5[%get3A_45, %get3A_46] : memref<128x16xf32, #tpu.memory_space<vmem>>, vector<128x16xf32>
    %dot_general3A_48 = arith.constant dense<0.000000e+00> : vector<768x16xf32>
    %dot_general3A_49 = tpu.matmul %max3A_44, %get3A_47, %dot_general3A_48 {dimension_numbers = #tpu.dot_dimension_numbers<[1], [0], [0], [1], [0, 0, 1, 1], [], []>, transpose_lhs_hint = false} : vector<768x128xf32>, vector<128x16xf32>, vector<768x16xf32> -> vector<768x16xf32>
    %get3A_50 = arith.constant 0 : index
    %get3A_51 = arith.constant 0 : index
    %get3A_52 = vector.load %arg6[%get3A_50, %get3A_51] : memref<128x16xf32, #tpu.memory_space<vmem>>, vector<128x16xf32>
    %dot_general3A_53 = arith.constant dense<0.000000e+00> : vector<768x16xf32>
    %dot_general3A_54 = tpu.matmul %get3A_24, %get3A_52, %dot_general3A_53 {dimension_numbers = #tpu.dot_dimension_numbers<[1], [0], [0], [1], [0, 0, 1, 1], [], []>, transpose_lhs_hint = false} : vector<768x128xf32>, vector<128x16xf32>, vector<768x16xf32> -> vector<768x16xf32>
    %add3A_55 = arith.addf %dot_general3A_49, %dot_general3A_54 : vector<768x16xf32>
    %get3A_56 = arith.constant 0 : index
    %get3A_57 = arith.constant 0 : index
    %get3A_58 = vector.load %arg11[%get3A_56, %get3A_57] : memref<1x16xf32, #tpu.memory_space<vmem>>, vector<1x16xf32>
    %add3A_59 = vector.broadcast %get3A_58 : vector<1x16xf32> to vector<768x16xf32>
    %add3A_60 = arith.addf %add3A_55, %add3A_59 : vector<768x16xf32>
    %iota3A = tpu.iota {dimensions = array<i32: 1>} : vector<768x16xi32>
    %max3A_61 = arith.constant 0.000000e+00 : f32
    %max3A_62 = vector.broadcast %max3A_61 : f32 to vector<768x16xf32>
    %max3A_63 = arith.maximumf %add3A_60, %max3A_62 : vector<768x16xf32>
    %abs3A = math.absf %add3A_60 : vector<768x16xf32>
    %neg3A = arith.constant 0.000000e+00 : f32
    %neg3A_64 = vector.broadcast %neg3A : f32 to vector<768x16xf32>
    %neg3A_65 = arith.subf %neg3A_64, %abs3A : vector<768x16xf32>
    %exp3A = math.exp %neg3A_65 : vector<768x16xf32>
    %log1p3A = math.log1p %exp3A : vector<768x16xf32>
    %add3A_66 = arith.addf %max3A_63, %log1p3A : vector<768x16xf32>
    %jit3A_67 = arith.constant 2 : i32
    %eq3A = arith.constant 0 : i32
    %eq3A_68 = arith.cmpi eq, %jit3A_67, %eq3A : i32
    %jit3A_69 = arith.constant 1 : i32
    %select_n3A_70 = arith.select %eq3A_68, %jit3A_69, %jit3A_67 : i32
    %rem3A = vector.broadcast %select_n3A_70 : i32 to vector<768x16xi32>
    %rem3A_71 = arith.remsi %iota3A, %rem3A : vector<768x16xi32>
    %ne3A = arith.constant 0 : i32
    %ne3A_72 = vector.broadcast %ne3A : i32 to vector<768x16xi32>
    %ne3A_73 = arith.cmpi ne, %rem3A_71, %ne3A_72 : vector<768x16xi32>
    %lt3A = arith.constant 0 : i32
    %lt3A_74 = vector.broadcast %lt3A : i32 to vector<768x16xi32>
    %lt3A_75 = arith.cmpi slt, %rem3A_71, %lt3A_74 : vector<768x16xi32>
    %lt3A_76 = arith.constant 0 : i32
    %lt3A_77 = arith.cmpi slt, %select_n3A_70, %lt3A_76 : i32
    %ne3A_78 = vector.broadcast %lt3A_77 : i1 to vector<768x16xi1>
    %ne3A_79 = vector.broadcast %ne3A_78 : vector<768x16xi1> to vector<768x16xi1>
    %ne3A_80 = arith.xori %lt3A_75, %ne3A_79 : vector<768x16xi1>
    %and3A = arith.andi %ne3A_80, %ne3A_73 : vector<768x16xi1>
    %add3A_81 = vector.broadcast %select_n3A_70 : i32 to vector<768x16xi32>
    %add3A_82 = arith.addi %rem3A_71, %add3A_81 : vector<768x16xi32>
    %select_n3A_83 = arith.select %and3A, %add3A_82, %rem3A_71 : vector<768x16xi1>, vector<768x16xi32>
    %eq3A_84 = arith.constant 1 : i32
    %eq3A_85 = vector.broadcast %eq3A_84 : i32 to vector<768x16xi32>
    %eq3A_86 = arith.cmpi eq, %select_n3A_83, %eq3A_85 : vector<768x16xi32>
    %select_n3A_87 = arith.select %eq3A_86, %add3A_66, %add3A_60 : vector<768x16xi1>, vector<768x16xf32>
    %swap3A = arith.constant 0 : index
    %swap3A_88 = arith.constant 0 : index
    %swap3A_89 = vector.load %arg12[%swap3A, %swap3A_88] : memref<768x16xf32, #tpu.memory_space<vmem>>, vector<768x16xf32>
    tpu.vector_store %arg12[%swap3A, %swap3A_88], %select_n3A_87 {strides = array<i32>} : memref<768x16xf32, #tpu.memory_space<vmem>>, vector<768x16xf32>,
    %get3A_90 = arith.constant 0 : index
    %get3A_91 = arith.constant 0 : index
    %get3A_92 = vector.load %arg7[%get3A_90, %get3A_91] : memref<768x128xf32, #tpu.memory_space<vmem>>, vector<768x128xf32>
    %mul3A = arith.mulf %max3A_44, %get3A_92 : vector<768x128xf32>
    %get3A_93 = arith.constant 0 : index
    %get3A_94 = arith.constant 0 : index
    %get3A_95 = vector.load %arg8[%get3A_93, %get3A_94] : memref<768x128xf32, #tpu.memory_space<vmem>>, vector<768x128xf32>
    %mul3A_96 = arith.mulf %get3A_24, %get3A_95 : vector<768x128xf32>
    %add3A_97 = arith.addf %mul3A, %mul3A_96 : vector<768x128xf32>
    %get3A_98 = arith.constant 0 : index
    %get3A_99 = arith.constant 0 : index
    %get3A_100 = vector.load %arg9[%get3A_98, %get3A_99] : memref<128x8xf32, #tpu.memory_space<vmem>>, vector<128x8xf32>
    %dot_general3A_101 = arith.constant dense<0.000000e+00> : vector<768x8xf32>
    %dot_general3A_102 = tpu.matmul %add3A_97, %get3A_100, %dot_general3A_101 {dimension_numbers = #tpu.dot_dimension_numbers<[1], [0], [0], [1], [0, 0, 1, 1], [], []>, transpose_lhs_hint = false} : vector<768x128xf32>, vector<128x8xf32>, vector<768x8xf32> -> vector<768x8xf32>
    %swap3A_103 = arith.constant 0 : index
    %swap3A_104 = arith.constant 0 : index
    %swap3A_105 = vector.load %arg13[%swap3A_103, %swap3A_104] : memref<768x8xf32, #tpu.memory_space<vmem>>, vector<768x8xf32>
    tpu.vector_store %arg13[%swap3A_103, %swap3A_104], %dot_general3A_102 {strides = array<i32>} : memref<768x8xf32, #tpu.memory_space<vmem>>, vector<768x8xf32>,
    return
  }
}

</mosaic_0001>

<sc_bundles>
// kernel: kernel.5.cloned.1.call-start
scs
__scs_entry_jumppad:
0x0: {  	(pc) =	sbr.rel $0x88, $3  }
0x1: {  	(tag) =	ssettag $0x0;
	lr =	simm.s32 $0x1  }
0x2: {  	[smem:$0x3F8E] =	sst lr;
	_ =	strace $0xD0000000  }
0x3: {  	_ = 	snop  }
0x4: {  	_ = 	snop  }
0x5: {  	_ = 	snop  }
0x6: {  	_ = 	snop  }
0x7: {  	_ = 	snop  }
__scs_overlays_trampoline_lowered:
0x8: {  	[smem:$0x3F9D] =	sst s0  }
0x9: {  	[smem:$0x3F9E] =	sst s1  }
0xa: {  	[smem:$0x3F9F] =	sst s2  }
0xb: {  	[smem:$0x3FA0] =	sst s3  }
0xc: {  	[smem:$0x3FA1] =	sst s4  }
0xd: {  	[smem:$0x3FA2] =	sst s5  }
0xe: {  	[smem:$0x3FA3] =	sst s6  }
0xf: {  	[smem:$0x3FA4] =	sst s7  }
0x10: {  	[smem:$0x3FA5] =	sst s8  }
0x11: {  	[smem:$0x3FA6] =	sst s9;
	s0 =	simm.s32 @!p0 $0x0  }
0x12: {  	s1 =	sld [smem:$0x3F8C];
	s0 =	simm.s32 @p0 $0x1  }
0x13: {  	[smem:$0x3FA7] =	sst s0;
	s0 =	simm.s32 @!p1 $0x0  }
0x14: {  	s2 =	sld [smem:$0x3F8B];
	s0 =	simm.s32 @p1 $0x1  }
0x15: {  	[smem:$0x3FA8] =	sst s0;
	s0 =	simm.s32 @!p2 $0x0  }
0x16: {  	s3 =	sld [smem:$0x3FDB];
	s0 =	simm.s32 @p2 $0x1  }
0x17: {  	s4 =	simm.s32 $0x1BF5;
	[smem:$0x3FAA] =	sst s0  }
0x18: {  	s0 =	sld [smem:$0x3F8D];
	_ =	swait.ge [sflag:s4], $0x0  }
0x19: {  	s7 =	sld [smem:$0x3F8E]  }
0x1a: {  	s8 =	sadd.s32 $0xFFFFE003, lr  }
0x1b: {  	s9 =	sadd.s32 $0xFFFFFEF7, lr;
	s5 =	simm.s32 $0xFFFFFFFF;
	p2 =	slt.u32 s8, $0xFFFFF086  }
0x1c: {  	p1 =	slt.u32 s9, $0xF7A;
	s5 =	simm.s32 @!p2 $0x0  }
0x1d: {  	s5 =	simm.s32 @p1 $0x1;
	p0 =	seq.s32 s7, s2  }
0x1e: {  	s7 =	smul.u32 @!p0 $0xF7A, s2;
	p2 =	seq.s32 @!p0 s5, $0x0  }
0x1f: {  	s9 =	smul.u32 $0xF7A, s1;
	s8 =	simm.s32 @!p0 $0x1BF5;
	p2 =	por !p2, p0  }
0x20: {  	[sflag:s8] =	ssyncset.s32 @!p0 $0xFFFFF086;
	s6 =	sadd.s32 @!p0 s3, s7;
	s7 =	simm.s32 @!p0 $0x108  }
0x21: {  	s3 =	sadd.s32 s3, s9;
	s6 =	sadd.s32 @!p0 $0x88, s6;
	s7 =	simm.s32 @p2 $0x1082  }
0x22: {  	[simem:s7], [sflag:s8] =	dma.local @!p0 [hbm:s6], $0xF7A  }
0x23: {  	s9 =	sor.u32 $0xD0000000, s2;
	s6 =	simm.s32 $0x108;
	_ =	swait.ge @!p0 [sflag:s8], $0x0  }
0x24: {  	s3 =	sadd.s32 $0x88, s3;
	s6 =	simm.s32 @!p1 $0x1082;
	[sflag:s4] =	ssyncset.s32 $0xFFFFF086  }
0x25: {  	[simem:s6], [sflag:s4] =	dma.local [hbm:s3], $0xF7A  }
0x26: {  	[smem:$0x3F8E] =	sst s1;
	(tag) =	ssettag s2;
	_ =	strace s9  }
0x27: {  	s1 =	sld [smem:$0x3F9E]  }
0x28: {  	s2 =	sld [smem:$0x3F9F]  }
0x29: {  	s4 =	sld [smem:$0x3FA1]  }
0x2a: {  	p0 =	seq.s32 s5, $0x0;
	s5 =	sld [smem:$0x3FA2]  }
0x2b: {  	s6 =	sld [smem:$0x3FA3]  }
0x2c: {  	s7 =	sld [smem:$0x3FA4]  }
0x2d: {  	s3 =	simm.s32 $0x108;
	s8 =	sld [smem:$0x3FA5]  }
0x2e: {  	s3 =	simm.s32 @!p0 $0x1082;
	s9 =	sld [smem:$0x3FA6]  }
0x2f: {  	lr =	sadd.s32 s0, s3;
	s0 =	sld [smem:$0x3F9D]  }
0x30: {  	s3 =	sld [smem:$0x3FA0]  }
0x31: {  	[smem:$0x3FA9] =	sst s10  }
0x32: {  	s10 =	sld [smem:$0x3FA7];
	_ =	sdelay $0x3  }
0x33: {  	p0 =	seq.s32 s10, $0x1;
	s10 =	sld [smem:$0x3FA9];
	_ =	sdelay $0x3  }
0x34: {  	[smem:$0x3FA9] =	sst s10  }
0x35: {  	s10 =	sld [smem:$0x3FA8];
	_ =	sdelay $0x3  }
0x36: {  	p1 =	seq.s32 s10, $0x1;
	s10 =	sld [smem:$0x3FA9];
	_ =	sdelay $0x3  }
0x37: {  	[smem:$0x3FA9] =	sst s10  }
0x38: {  	s10 =	sld [smem:$0x3FAA]  }
0x39: {  	_ = 	snop;
	(pc) =	sbr.ind lr, $3  }
0x3a: {  	_ = 	snop  }
0x3b: {  	_ = 	snop  }
0x3c: {  	p2 =	seq.s32 s10, $0x1;
	s10 =	sld [smem:$0x3FA9]  }
0x3d: {  	_ =	shalt  }
0x3e: {  	_ =	shalt  }
0x3f: {  	_ =	shalt  }
0x40: {  	_ =	shalt  }
0x41: {  	_ =	shalt  }
0x42: {  	_ =	shalt  }
0x43: {  	_ =	shalt  }
0x44: {  	_ =	shalt  }
0x45: {  	_ =	shalt  }
0x46: {  	_ =	shalt  }
0x47: {  	_ =	shalt  }
0x48: {  	_ =	shalt  }
0x49: {  	_ =	shalt  }
0x4a: {  	_ =	shalt  }
0x4b: {  	_ =	shalt  }
0x4c: {  	_ =	shalt  }
0x4d: {  	_ =	shalt  }
0x4e: {  	_ =	shalt  }
0x4f: {  	_ =	shalt  }
0x50: {  	_ =	shalt  }
0x51: {  	_ =	shalt  }
0x52: {  	_ =	shalt  }
0x53: {  	_ =	shalt  }
0x54: {  	_ =	shalt  }
0x55: {  	_ =	shalt  }
0x56: {  	_ =	shalt  }
0x57: {  	_ =	shalt  }
0x58: {  	_ =	shalt  }
0x59: {  	_ =	shalt  }
0x5a: {  	_ =	shalt  }
0x5b: {  	_ =	shalt  }
0x5c: {  	_ =	shalt  }
0x5d: {  	_ =	shalt  }
0x5e: {  	_ =	shalt  }
0x5f: {  	_ =	shalt  }
0x60: {  	_ =	shalt  }
0x61: {  	_ =	shalt  }
0x62: {  	_ =	shalt  }
0x63: {  	_ =	shalt  }
0x64: {  	_ =	shalt  }
0x65: {  	_ =	shalt  }
0x66: {  	_ =	shalt  }
0x67: {  	_ =	shalt  }
0x68: {  	_ =	shalt  }
0x69: {  	_ =	shalt  }
0x6a: {  	_ =	shalt  }
0x6b: {  	_ =	shalt  }
0x6c: {  	_ =	shalt  }
0x6d: {  	_ =	shalt  }
0x6e: {  	_ =	shalt  }
0x6f: {  	_ =	shalt  }
0x70: {  	_ =	shalt  }
0x71: {  	_ =	shalt  }
0x72: {  	_ =	shalt  }
0x73: {  	_ =	shalt  }
0x74: {  	_ =	shalt  }
0x75: {  	_ =	shalt  }
0x76: {  	_ =	shalt  }
0x77: {  	_ =	shalt  }
0x78: {  	_ =	shalt  }
0x79: {  	_ =	shalt  }
0x7a: {  	_ =	shalt  }
0x7b: {  	_ =	shalt  }
0x7c: {  	_ =	shalt  }
0x7d: {  	_ =	shalt  }
0x7e: {  	_ =	shalt  }
0x7f: {  	_ =	shalt  }
0x80: {  	_ =	shalt  }
0x81: {  	_ =	shalt  }
0x82: {  	_ =	shalt  }
0x83: {  	_ =	shalt  }
0x84: {  	_ =	shalt  }
0x85: {  	_ =	shalt  }
0x86: {  	_ =	shalt  }
0x87: {  	_ =	shalt  }
.Lfunc_end0:
.L_simem_size_0:
called_computation_lowered:
.L_overlay_start_0:
0x88: {  	s2 =	sld [smem:$0x3FD9]  }
0x89: {  	s3 =	sld [smem:$0x3FFE];
	_ =	sdelay $0x1  }
0x8a: {  	s1 =	srdreg.scid  }
0x8b: {  	s0 =	sand.u32 $0x1, s1  }
0x8c: {  	s16 =	sshll.u32 s0, $0xA;
	s2 =	sadd.s32 s3, s2  }
0x8d: {  	s2 =	sadd.s32 s2, s16  }
0x8e: {  	[smem:$0x3FB5] =	sst s2  }
0x8f: {  	_ = 	snop  }
0x90: {  	(tm) =	ssettm $0x1  }
0x91: {  	s17 =	sld [smem:$0x3FFB];
	_ =	sdelay $0x3  }
0x92: {  	_ =	strace s17  }
0x93: {  	s2 =	sld [smem:$0x3FFC];
	_ =	sdelay $0x3  }
0x94: {  	_ =	strace s2  }
0x95: {  	s2 =	sld [smem:$0x3FFD];
	_ =	sdelay $0x3  }
0x96: {  	_ =	strace s2  }
0x97: {  	_ =	strace $0x8FFFFFFF  }
0x98: {  	s18 =	sld [smem:$0x3FDB];
	_ =	sdelay $0x1  }
0x99: {  	s19 =	simm.s32 $_scs_section_size  }
0x9a: {  	s4 =	simm.s32 $_size__tile_overlayer_lowered;
	s5 =	simm.s32 $_tile_overlayer_lowered  }
0x9b: {  	s22 =	simm.s32 $0x1BFF;
	s21 =	sshll.u32 s5, $0x1;
	s2 =	sadd.s32 s19, s18  }
0x9c: {  	s6 =	simm.s32 $0x0;
	s20 =	sshll.u32 s4, $0x1;
	s4 =	sadd.s32 s21, s2  }
0x9d: {  	[timem:s6], [sflag:s22] =	dma.local [hbm:s4], s20  }
0x9e: {  	_ =	swait.ge [sflag:s22], s20  }
0x9f: {  	s3 =	ssub.s32 $0x0, s20;
	[sflag:s22] =	ssyncset.done $0x0  }
0xa0: {  	[sflag:s22] =	ssyncadd.s32 s3;
	_ =	sdelay $0x1  }
0xa1: {  	s23 =	simm.s32 $0x1B8B  }
0xa2: {  	_ =	swait.ge [sflag:s23], $0x1  }
0xa3: {  	[sflag:s23] =	ssyncset.done $0x0  }
0xa4: {  	s25 =	simm.s32 $0x1B8E;
	s24 =	sld [smem:$0x3FFE];
	[sflag:s23] =	ssyncadd.s32 $0xFFFFFFFF  }
0xa5: {  	s26 =	simm.s32 $execute0_lowered;
	[smem:$0x3FD2] =	sst s25  }
0xa6: {  	s4 =	sshll.u32 s26, $0x1;
	_ =	strace $0x80000046;
	[dreg:$0x1] =	wrdreg $0xFFFFFFFF  }
0xa7: {  	s28 =	simm.s32 $_size_execute0_lowered;
	s2 =	sadd.s32 s2, s4;
	[dreg:$0x0] =	wrdreg $0x0  }
0xa8: {  	s4 =	sshll.u32 s28, $0x1;
	[dreg:$0x2] =	wrdreg s2  }
0xa9: {  	[dreg:$0x3] =	wrdreg s4  }
0xaa: {  	[dreg:$0x4] =	wrdreg $0xC0  }
0xab: {  	_ =	task [dreg:s6], $0x5FFFF  }
0xac: {  	[dreg:$0x1] =	wrdreg $0xFFFFFFFF  }
0xad: {  	[dreg:$0x0] =	wrdreg $0x60  }
0xae: {  	[dreg:$0x2] =	wrdreg s24  }
0xaf: {  	[dreg:$0x3] =	wrdreg $0x6C200  }
0xb0: {  	[dreg:$0x4] =	wrdreg $0x85200  }
0xb1: {  	[dreg:$0x5] =	wrdreg $0x9  }
0xb2: {  	_ =	task.clear_ibuf [dreg:s6], $0x6FFFF;
	_ =	strace $0x90000046  }
0xb3: {  	s29 =	simm.s32 $0x9;
	_ =	strace $0x80000048  }
0xb4: {  	_ =	swait.ge [sflag:s29], $0x1  }
0xb5: {  	[sflag:s29] =	ssyncadd.s32 $0xFFFFFFFF  }
0xb6: {  	_ =	strace $0x90000048  }
0xb7: {  	_ =	sfence  }
0xb8: {  	s30 =	sld [smem:$0x0];
	_ =	sdelay $0x2  }
0xb9: {  	s31 =	sshll.u32 s1, $0xD;
	s1 =	sshrl.u32 s1, $0x2  }
0xba: {  	s3 =	sand.u32 $0x4000, s31;
	s1 =	sadd.s32 s1, s30  }
0xbb: {  	s0 =	sor.u32 s3, s0;
	s1 =	sshll.u32 s1, $0x11  }
0xbc: {  	s0 =	sor.u32 s1, s0  }
0xbd: {  	s0 =	sadd.s32 $0x8F2B, s0  }
0xbe: {  	[sflag:s0] =	ssyncadd.remote.s32 $0x1  }
0xbf: {  	_ =	sfence.sel $0xFFFF  }
0xc0: {  	[dreg:$0x0] =	wrdreg $0xFFFFFFFF;
	(pc) =	sbr.abs _section_cstart, $3  }
0xc1: {  	[dreg:$0x1] =	wrdreg $0xFFFFFFFF  }
0xc2: {  	_ =	task.clear_ibuf [dreg:s6], $0x2FFFF;
	_ =	strace $0x9FFFFFFF  }
0xc3: {  	(tm) =	ssettm $0x7FFFFFFF  }
tec
execute0_lowered:
.L_overlay_start_1:
0x0: {  	(tag) =	ssettag $0x1  }
0x1: {  	s7 =	rddreg [dreg:$0x0]  }
0x2: {  	s2 =	rddreg [dreg:$0x1]  }
0x3: {  	s3 =	rddreg [dreg:$0x2]  }
0x4: {  	s0 =	rddreg [dreg:$0x3]  }
0x5: {  	s5 =	srdreg.scid;
	s1 =	stileid.u32;
	s4 =	simm.s32 $0x0  }
0x6: {  	s14 =	simm.s32 $0x2;
	s15 =	simm.s32 $0x2000;
	s16 =	simm.s32 $0x4110  }
0x7: {  	s17 =	simm.s32 $0x4000;
	s18 =	simm.s32 $0x80;
	s19 =	simm.s32 $0x4220  }
0x8: {  	s20 =	simm.s32 $0x4320;
	s21 =	simm.s32 $0x1;
	s22 =	simm.s32 $0x42A0  }
0x9: {  	s23 =	simm.s32 $0x4B20;
	s8 =	sand.u32 $0x1, s5;
	s9 =	smul.u32 $0x1900, s1  }
0xa: {  	[smem:$0x7FF] =	sst s4;
	s5 =	sadd.s32 $0x62C00, s7;
	s30 =	sshll.u32 s1, $0x1  }
0xb: {  	s6 =	smul.u32 $0x19000, s8;
	_ =	strace $0x80000047;
	s11 =	ssub.s32 $0x2, s8  }
.Ltmp0:
0xc: {  	s31 =	sor.u32 s8, s30;
	s12 =	sshrl.u32 s11, $0x1;
	(pc) =	sbr.rel .LBB2_1-.Ltmp0, $4  }
0xd: {  	s8 =	sadd.s32 s9, s3;
	s10 =	sadd.s32 s9, s6;
	s12 =	ssub.s32 s11, s12  }
0xe: {  	s6 =	sadd.s32 $0x2C00, s7;
	s10 =	sshrl.u32 s10, $0x3;
	s12 =	smax.u32 s12, $0x1  }
0xf: {  	v0 =	vimm.f32 $0.0e+00;
	s13 =	sadd.s32 s10, s7;
	s7 =	sadd.s32 s9, s2;
	s9 =	smul.u32 $0xC000, s31  }
0x10: {  	v1 =	vimm.f32 $1.000000000e+00;
	v2 =	vimm.s32 $0x0;
	v3 =	vimm.s32 $0x1800;
	s10 =	sadd.s32 $0x92C00, s13;
	s11 =	sadd.s32 $0x99000, s13;
	s13 =	simm.s32 $0x5320  }
.LBB2_13:
0x11: {  	v4 =	vld [tilespmem:$0x4000]  }
0x12: {  	v5 =	vld [tilespmem:$0x4110]  }
0x13: {  	v6 =	vld [tilespmem:$0x4010]  }
0x14: {  	v7 =	vld [tilespmem:$0x4120]  }
0x15: {  	v8 =	vld [tilespmem:$0x4020]  }
0x16: {  	[tilespmem:$0x4220] =	vst v4;
	v4 =	vld [tilespmem:$0x4130]  }
0x17: {  	v58 =	vld [tilespmem:$0x4140];
	[tilespmem:$0x42A0] =	vst v5  }
0x18: {  	v59 =	vld [tilespmem:$0x4040];
	[tilespmem:$0x4230] =	vst v6  }
0x19: {  	v60 =	vld [tilespmem:$0x4150];
	[tilespmem:$0x42B0] =	vst v7  }
0x1a: {  	v5 =	vld [tilespmem:$0x4030];
	[tilespmem:$0x4240] =	vst v8  }
0x1b: {  	[tilespmem:$0x42C0] =	vst v4;
	v4 =	vld [tilespmem:$0x4050]  }
0x1c: {  	v61 =	vld [tilespmem:$0x4060];
	[tilespmem:$0x42D0] =	vst v58  }
0x1d: {  	v62 =	vld [tilespmem:$0x4170];
	[tilespmem:$0x4260] =	vst v59  }
0x1e: {  	v63 =	vld [tilespmem:$0x4070];
	[tilespmem:$0x42E0] =	vst v60  }
0x1f: {  	[tilespmem:$0x4250] =	vst v5;
	v5 =	vld [tilespmem:$0x4160]  }
0x20: {  	[tilespmem:$0x4270] =	vst v4;
	v4 =	vld [tilespmem:$0x4180]  }
0x21: {  	[tilespmem:$0x4280] =	vst v61  }
0x22: {  	[tilespmem:$0x4300] =	vst v62  }
0x23: {  	[tilespmem:$0x4290] =	vst v63  }
0x24: {  	[tilespmem:$0x42F0] =	vst v5  }
0x25: {  	[tilespmem:$0x4310] =	vst v4  }
0x26: {  	[tilespmem:s20], [sflag:$0x1] =	stream.indirect.gather [hbm4b:s5+s18], $0x10, s19, s18, $0xb8;
	[tilespmem:$0x9E20] =	vst v63  }
0x27: {  	_ =	swait.ge [sflag:s21], $0x800  }
0x28: {  	[sflag:s21] =	ssyncset.done $0x0  }
0x29: {  	[sflag:s21] =	ssyncadd.s32 $0xFFFFF800  }
0x2a: {  	[spmem:s2] =	stream.indirect.scatter.add.f32 [tilespmem:s20], [sflag:$0x2], $0x10, s22, s18, $0xb8;
	[tilespmem:$0x9E20] =	vst v63  }
0x2b: {  	_ =	swait.ge [sflag:s14], $0x800  }
0x2c: {  	[sflag:s14] =	ssyncset.done $0x0  }
0x2d: {  	[sflag:s14] =	ssyncadd.s32 $0xFFFFF800  }
0x2e: {  	[spmem:s3] =	stream.indirect.scatter.add.f32 [tilespmem:s23], [sflag:$0x2], $0x10, s22, s18, $0xb8;
	[tilespmem:$0x9E20] =	vst v63  }
0x2f: {  	_ =	swait.ge [sflag:s14], $0x800  }
0x30: {  	[sflag:s14] =	ssyncset.done $0x0  }
0x31: {  	s24 =	sshll.u32 s1, $0x6;
	[sflag:s14] =	ssyncadd.s32 $0xFFFFF800  }
0x32: {  	s25 =	sshrl.u32 s7, $0x3;
	s24 =	sor.u32 $0x1C02, s24;
	[bflag:$0x0] =	sbarrier.arrive $0xFFFF  }
0x33: {  	[hbm:s10], [sflag:s24] =	dma.local [spmem:s25], $0x320  }
0x34: {  	s4 =	sadd.s32 $0x1, s4;
	_ =	swait.ge [sflag:s14], $0x320  }
0x35: {  	p0 =	sne.s32 s4, s12;
	[sflag:s14] =	ssyncset.done $0x0  }
.Ltmp1:
0x36: {  	s31 =	sshrl.u32 s8, $0x3;
	[sflag:s14] =	ssyncadd.s32 $0xFFFFFCE0;
	(pc) =	sbr.rel @!p0 .LBB2_14-.Ltmp1, $4  }
0x37: {  	[hbm:s11], [sflag:s24] =	dma.local [spmem:s31], $0x320  }
0x38: {  	_ =	swait.ge [sflag:s14], $0x320  }
0x39: {  	[sflag:s14] =	ssyncset.done $0x0  }
0x3a: {  	[sflag:s14] =	ssyncadd.s32 $0xFFFFFCE0  }
.LBB2_1:
0x3b: {  	s24 =	simm.s32 $0x0  }
.LBB2_2:
0x3c: {  	p0 =	sne.s32 s24, $0x63C0  }
.Ltmp2:
0x3d: {  	_ = 	snop;
	(pc) =	sbr.rel @p0 .LBB2_2-.Ltmp2, $3  }
0x3e: {  	_ =	sdelay $0x1  }
0x3f: {  	s25 =	sshra.s32 s24, $0x2  }
0x40: {  	s24 =	sadd.s32 $0x40, s24;
	[tilespmem:s25+$0x5320] =	vst v0  }
0x41: {  	s24 =	simm.s32 $0x40;
	s25 =	simm.s32 $0x0  }
.LBB2_4:
0x42: {  	p0 =	sne.s32 s24, $0x1FC0;
	[tilespmem:s25+$0x4B20] =	vst v1;
	s25 =	smov.u32 s24;
	s24 =	sadd.s32 $0x40, s24  }
.Ltmp3:
0x43: {  	(pc) =	sbr.rel @p0 .LBB2_4-.Ltmp3, $2  }
0x44: {  	_ =	sdelay $0x2  }
0x45: {  	s25 =	sshra.s32 s25, $0x2  }
0x46: {  	[tilespmem:s25+$0x4B20] =	vst v1  }
0x47: {  	[spmem:s7] =	stream.linear.scatter [tilespmem:s13], [sflag:$0x2], $0x1900, $0x38;
	[tilespmem:$0x9E20] =	vst v63  }
0x48: {  	_ =	swait.ge [sflag:s14], $0x1900  }
0x49: {  	[sflag:s14] =	ssyncset.done $0x0  }
0x4a: {  	[sflag:s14] =	ssyncadd.s32 $0xFFFFE700  }
0x4b: {  	[spmem:s8] =	stream.linear.scatter [tilespmem:s13], [sflag:$0x2], $0x1900, $0x38;
	[tilespmem:$0x9E20] =	vst v63  }
.Ltmp4:
0x4c: {  	_ =	swait.ge [sflag:s14], $0x1900;
	(pc) =	sbr.rel .LBB2_6-.Ltmp4, $4  }
0x4d: {  	[sflag:s14] =	ssyncset.done $0x0  }
0x4e: {  	[sflag:s14] =	ssyncadd.s32 $0xFFFFE700  }
0x4f: {  	[bflag:$0x0] =	sbarrier.arrive $0xFFFF  }
0x50: {  	s24 =	simm.s32 $0x0;
	s28 =	simm.s32 $0x0;
	s25 =	simm.s32 $0x0  }
.LBB2_10:
0x51: {  	s25 =	sadd.s32 $0x1, s25  }
0x52: {  	p0 =	sne.s32 s25, $0x6  }
.Ltmp5:
0x53: {  	_ = 	snop;
	(pc) =	sbr.rel @!p0 .LBB2_11-.Ltmp5, $1  }
0x54: {  	_ =	sdelay $0x3  }
.LBB2_6:
0x55: {  	s26 =	sshll.u32 s25, $0xD  }
0x56: {  	s26 =	sadd.s32 s9, s26  }
0x57: {  	s26 =	sshrl.u32 s26, $0x3  }
0x58: {  	s26 =	sadd.s32 s6, s26  }
0x59: {  	[tilespmem:s24], [sflag:$0x2] =	stream.linear.gather [hbm4b:s26+s24], $0x2000, $0x38;
	[tilespmem:$0x9E20] =	vst v63  }
0x5a: {  	_ =	swait.ge [sflag:s14], $0x2000  }
0x5b: {  	[sflag:s14] =	ssyncset.done $0x0  }
.Ltmp6:
0x5c: {  	s26 =	sadd.s32 $0x30000, s26;
	[sflag:s14] =	ssyncadd.s32 $0xFFFFE000;
	(pc) =	sbr.rel .LBB2_7-.Ltmp6, $4  }
0x5d: {  	[tilespmem:s15], [sflag:$0x2] =	stream.linear.gather [hbm4b:s26+s24], $0x2000, $0x38;
	[tilespmem:$0x9E20] =	vst v63  }
0x5e: {  	_ =	swait.ge [sflag:s14], $0x2000  }
0x5f: {  	[sflag:s14] =	ssyncset.done $0x0  }
0x60: {  	s26 =	simm.s32 $0x0;
	[sflag:s14] =	ssyncadd.s32 $0xFFFFE000  }
.LBB2_9:
0x61: {  	s26 =	sadd.s32 $0x200, s26  }
0x62: {  	p1 =	sne.s32 s26, $0x8000  }
.Ltmp7:
0x63: {  	_ = 	snop;
	(pc) =	sbr.rel @!p1 .LBB2_10-.Ltmp7, $3  }
0x64: {  	_ =	sdelay $0x1  }
0x65: {  	p0 =	sgt.s32 s28, $0x7F;
	s29 =	sadd.s32 $0xFFFFFF80, s28  }
0x66: {  	s28 =	smov.u32 @p0 s29  }
.LBB2_7:
0x67: {  	s29 =	sshra.s32 s26, $0x2  }
0x68: {  	v4 =	vld [tilespmem:s29+$0x2000];
	_ =	sdelay $0x4  }
0x69: {  	vm0 =	vgt.s32 v4, $0x167FF  }
0x6a: {  	v5 =	vsel vm0, $0x1, v2  }
0x6b: {  	(xrf0) =	vadd.scan.msk.s32 $0xffff, v5;
	_ =	sdelay $0x4  }
0x6c: {  	v5 =	vsel vm0, $0xFFFFFFFF, v2  }
0x6d: {  	v5 =	vadd.s32 s28, v5;
	v6, _, _ =	vpop (xrf0)  }
0x6e: {  	v5 =	vadd.s32 v6, v5  }
0x6f: {  	v5 =	vnsel vm0, $0x100, v5  }
0x70: {  	v7 =	vld [tilespmem:s29+$0x0];
	_ =	sdelay $0x2  }
0x71: {  	v4 =	vadd.s32 $0xFFFE9800, v4  }
0x72: {  	(v2sf) =	vpush v6, $0xF;
	[tilespmem:v5+s16+$0x0] =	vst.idx.msk $0xffff, v4  }
0x73: {  	[tilespmem:v5+s17+$0x0] =	vst.idx.msk $0xffff, v7  }
0x74: {  	v4 =	vld [tilespmem:s29+$0x2010];
	_ =	sdelay $0x4  }
0x75: {  	vm9 =	vgt.s32 v4, $0x167FF  }
0x76: {  	v5 =	vsel vm9, $0x1, v2  }
0x77: {  	(xrf0) =	vadd.scan.msk.s32 $0xffff, v5;
	_ =	sdelay $0x5  }
0x78: {  	s30 =	spop (v2sf);
	v5 =	vsel vm9, $0xFFFFFFFF, v2;
	v56, _, _ =	vpop (xrf0)  }
0x79: {  	s28 =	sadd.s32 s28, s30;
	v5 =	vadd.s32 v5, v56  }
0x7a: {  	v5 =	vadd.s32 s28, v5  }
0x7b: {  	v5 =	vnsel vm9, $0x100, v5  }
0x7c: {  	v7 =	vld [tilespmem:s29+$0x10];
	_ =	sdelay $0x2  }
0x7d: {  	v4 =	vadd.s32 $0xFFFE9800, v4  }
0x7e: {  	(v2sf) =	vpush v56, $0xF;
	[tilespmem:v5+s16+$0x0] =	vst.idx.msk $0xffff, v4  }
0x7f: {  	[tilespmem:v5+s17+$0x0] =	vst.idx.msk $0xffff, v7  }
0x80: {  	v4 =	vld [tilespmem:s29+$0x2020];
	_ =	sdelay $0x4  }
0x81: {  	vm10 =	vgt.s32 v4, $0x167FF  }
0x82: {  	v5 =	vsel vm10, $0x1, v2  }
0x83: {  	(xrf0) =	vadd.scan.msk.s32 $0xffff, v5;
	_ =	sdelay $0x5  }
0x84: {  	s31 =	spop (v2sf);
	v5 =	vsel vm10, $0xFFFFFFFF, v2;
	v57, _, _ =	vpop (xrf0)  }
0x85: {  	s28 =	sadd.s32 s28, s31;
	v5 =	vadd.s32 v5, v57  }
0x86: {  	v5 =	vadd.s32 s28, v5  }
0x87: {  	v5 =	vnsel vm10, $0x100, v5  }
0x88: {  	v7 =	vld [tilespmem:s29+$0x20];
	_ =	sdelay $0x2  }
0x89: {  	v4 =	vadd.s32 $0xFFFE9800, v4  }
0x8a: {  	(v2sf) =	vpush v57, $0xF;
	[tilespmem:v5+s16+$0x0] =	vst.idx.msk $0xffff, v4  }
0x8b: {  	[tilespmem:v5+s17+$0x0] =	vst.idx.msk $0xffff, v7  }
0x8c: {  	v4 =	vld [tilespmem:s29+$0x2030];
	_ =	sdelay $0x4  }
0x8d: {  	vm11 =	vgt.s32 v4, $0x167FF  }
0x8e: {  	v5 =	vsel vm11, $0x1, v2  }
0x8f: {  	(xrf0) =	vadd.scan.msk.s32 $0xffff, v5;
	_ =	sdelay $0x5  }
0x90: {  	s31 =	spop (v2sf);
	v5 =	vsel vm11, $0xFFFFFFFF, v2;
	v58, _, _ =	vpop (xrf0)  }
0x91: {  	s28 =	sadd.s32 s28, s31;
	v5 =	vadd.s32 v5, v58  }
0x92: {  	v5 =	vadd.s32 s28, v5  }
0x93: {  	v5 =	vnsel vm11, $0x100, v5  }
0x94: {  	v7 =	vld [tilespmem:s29+$0x30];
	_ =	sdelay $0x2  }
0x95: {  	v4 =	vadd.s32 $0xFFFE9800, v4  }
0x96: {  	(v2sf) =	vpush v58, $0xF;
	[tilespmem:v5+s16+$0x0] =	vst.idx.msk $0xffff, v4  }
0x97: {  	[tilespmem:v5+s17+$0x0] =	vst.idx.msk $0xffff, v7  }
0x98: {  	v4 =	vld [tilespmem:s29+$0x2040];
	_ =	sdelay $0x4  }
0x99: {  	vm12 =	vgt.s32 v4, $0x167FF  }
0x9a: {  	v5 =	vsel vm12, $0x1, v2  }
0x9b: {  	(xrf0) =	vadd.scan.msk.s32 $0xffff, v5;
	_ =	sdelay $0x5  }
0x9c: {  	s31 =	spop (v2sf);
	v5 =	vsel vm12, $0xFFFFFFFF, v2;
	v59, _, _ =	vpop (xrf0)  }
0x9d: {  	s28 =	sadd.s32 s28, s31;
	v5 =	vadd.s32 v5, v59  }
0x9e: {  	v5 =	vadd.s32 s28, v5  }
0x9f: {  	v5 =	vnsel vm12, $0x100, v5  }
0xa0: {  	v7 =	vld [tilespmem:s29+$0x40];
	_ =	sdelay $0x2  }
0xa1: {  	v4 =	vadd.s32 $0xFFFE9800, v4  }
0xa2: {  	(v2sf) =	vpush v59, $0xF;
	[tilespmem:v5+s16+$0x0] =	vst.idx.msk $0xffff, v4  }
0xa3: {  	[tilespmem:v5+s17+$0x0] =	vst.idx.msk $0xffff, v7  }
0xa4: {  	v4 =	vld [tilespmem:s29+$0x2050];
	_ =	sdelay $0x4  }
0xa5: {  	vm13 =	vgt.s32 v4, $0x167FF  }
0xa6: {  	v5 =	vsel vm13, $0x1, v2  }
0xa7: {  	(xrf0) =	vadd.scan.msk.s32 $0xffff, v5;
	_ =	sdelay $0x5  }
0xa8: {  	s31 =	spop (v2sf);
	v5 =	vsel vm13, $0xFFFFFFFF, v2;
	v60, _, _ =	vpop (xrf0)  }
0xa9: {  	s28 =	sadd.s32 s28, s31;
	v5 =	vadd.s32 v5, v60  }
0xaa: {  	v5 =	vadd.s32 s28, v5  }
0xab: {  	v5 =	vnsel vm13, $0x100, v5  }
0xac: {  	v7 =	vld [tilespmem:s29+$0x50];
	_ =	sdelay $0x2  }
0xad: {  	v4 =	vadd.s32 $0xFFFE9800, v4  }
0xae: {  	(v2sf) =	vpush v60, $0xF;
	[tilespmem:v5+s16+$0x0] =	vst.idx.msk $0xffff, v4  }
0xaf: {  	[tilespmem:v5+s17+$0x0] =	vst.idx.msk $0xffff, v7  }
0xb0: {  	v4 =	vld [tilespmem:s29+$0x2060];
	_ =	sdelay $0x4  }
0xb1: {  	vm14 =	vgt.s32 v4, $0x167FF  }
0xb2: {  	v5 =	vsel vm14, $0x1, v2  }
0xb3: {  	(xrf0) =	vadd.scan.msk.s32 $0xffff, v5;
	_ =	sdelay $0x5  }
0xb4: {  	s31 =	spop (v2sf);
	v5 =	vsel vm14, $0xFFFFFFFF, v2;
	v61, _, _ =	vpop (xrf0)  }
0xb5: {  	s28 =	sadd.s32 s28, s31;
	v5 =	vadd.s32 v5, v61  }
0xb6: {  	v5 =	vadd.s32 s28, v5  }
0xb7: {  	v5 =	vnsel vm14, $0x100, v5  }
0xb8: {  	v7 =	vld [tilespmem:s29+$0x60];
	_ =	sdelay $0x2  }
0xb9: {  	v4 =	vadd.s32 $0xFFFE9800, v4  }
0xba: {  	[tilespmem:v5+s16+$0x0] =	vst.idx.msk $0xffff, v4  }
0xbb: {  	[tilespmem:v5+s17+$0x0] =	vst.idx.msk $0xffff, v7  }
0xbc: {  	v4 =	vld [tilespmem:s29+$0x2070];
	_ =	sdelay $0x4  }
0xbd: {  	vm15 =	vgt.s32 v4, $0x167FF  }
0xbe: {  	v5 =	vsel vm15, $0x1, v2  }
0xbf: {  	(xrf0) =	vadd.scan.msk.s32 $0xffff, v5;
	_ =	sdelay $0x4  }
0xc0: {  	(v2sf) =	vpush v61, $0xF  }
0xc1: {  	v5, _, _ =	vpop (xrf0)  }
0xc2: {  	(v2sf) =	vpush v5, $0xF;
	_ =	sdelay $0xc  }
0xc3: {  	s31 =	spop (v2sf);
	v62 =	vsel vm15, $0xFFFFFFFF, v2  }
0xc4: {  	s28 =	sadd.s32 s28, s31;
	v5 =	vadd.s32 v62, v5  }
0xc5: {  	v5 =	vadd.s32 s28, v5;
	s31 =	spop (v2sf)  }
0xc6: {  	v5 =	vnsel vm15, $0x100, v5;
	s28 =	sadd.s32 s28, s31  }
0xc7: {  	v63 =	vld [tilespmem:s29+$0x70];
	p0 =	slt.s32 s28, $0x80  }
.Ltmp8:
0xc8: {  	_ = 	snop;
	(pc) =	sbr.rel @p0 .LBB2_9-.Ltmp8, $4  }
0xc9: {  	_ = 	snop  }
0xca: {  	v4 =	vadd.s32 $0xFFFE9800, v4  }
0xcb: {  	[tilespmem:v5+s16+$0x0] =	vst.idx.msk $0xffff, v4  }
0xcc: {  	[tilespmem:v5+s17+$0x0] =	vst.idx.msk $0xffff, v63  }
0xcd: {  	v4 =	vld [tilespmem:$0x4000]  }
0xce: {  	v5 =	vld [tilespmem:$0x4110]  }
0xcf: {  	v6 =	vld [tilespmem:$0x4010]  }
0xd0: {  	v7 =	vld [tilespmem:$0x4120]  }
0xd1: {  	v8 =	vld [tilespmem:$0x4020]  }
0xd2: {  	[tilespmem:$0x4220] =	vst v4;
	v4 =	vld [tilespmem:$0x4130]  }
0xd3: {  	v49 =	vld [tilespmem:$0x4140];
	[tilespmem:$0x42A0] =	vst v5  }
0xd4: {  	v50 =	vld [tilespmem:$0x4040];
	[tilespmem:$0x4230] =	vst v6  }
0xd5: {  	v51 =	vld [tilespmem:$0x4150];
	[tilespmem:$0x42B0] =	vst v7  }
0xd6: {  	v5 =	vld [tilespmem:$0x4030];
	[tilespmem:$0x4240] =	vst v8  }
0xd7: {  	[tilespmem:$0x42C0] =	vst v4;
	v4 =	vld [tilespmem:$0x4050]  }
0xd8: {  	v52 =	vld [tilespmem:$0x4060];
	[tilespmem:$0x42D0] =	vst v49  }
0xd9: {  	v53 =	vld [tilespmem:$0x4170];
	[tilespmem:$0x4260] =	vst v50  }
0xda: {  	v54 =	vld [tilespmem:$0x4070];
	[tilespmem:$0x42E0] =	vst v51  }
0xdb: {  	[tilespmem:$0x4250] =	vst v5;
	v5 =	vld [tilespmem:$0x4160]  }
0xdc: {  	[tilespmem:$0x4270] =	vst v4;
	v4 =	vld [tilespmem:$0x4180]  }
0xdd: {  	[tilespmem:$0x4280] =	vst v52  }
0xde: {  	[tilespmem:$0x4300] =	vst v53  }
0xdf: {  	[tilespmem:$0x4290] =	vst v54  }
0xe0: {  	[tilespmem:$0x42F0] =	vst v5  }
0xe1: {  	[tilespmem:$0x4310] =	vst v4  }
0xe2: {  	[tilespmem:s20], [sflag:$0x1] =	stream.indirect.gather [hbm4b:s5+s18], $0x10, s19, s18, $0xb8;
	[tilespmem:$0x9E20] =	vst v63  }
0xe3: {  	_ =	swait.ge [sflag:s21], $0x800  }
0xe4: {  	[sflag:s21] =	ssyncset.done $0x0  }
0xe5: {  	[sflag:s21] =	ssyncadd.s32 $0xFFFFF800  }
0xe6: {  	[spmem:s2] =	stream.indirect.scatter.add.f32 [tilespmem:s20], [sflag:$0x2], $0x10, s22, s18, $0xb8;
	[tilespmem:$0x9E20] =	vst v63  }
0xe7: {  	_ =	swait.ge [sflag:s14], $0x800  }
0xe8: {  	[sflag:s14] =	ssyncset.done $0x0  }
0xe9: {  	[sflag:s14] =	ssyncadd.s32 $0xFFFFF800  }
0xea: {  	[spmem:s3] =	stream.indirect.scatter.add.f32 [tilespmem:s23], [sflag:$0x2], $0x10, s22, s18, $0xb8;
	[tilespmem:$0x9E20] =	vst v63  }
0xeb: {  	_ =	swait.ge [sflag:s14], $0x800  }
0xec: {  	[sflag:s14] =	ssyncset.done $0x0  }
0xed: {  	[sflag:s14] =	ssyncadd.s32 $0xFFFFF800  }
0xee: {  	v4 =	vld [tilespmem:$0x4080]  }
0xef: {  	v5 =	vld [tilespmem:$0x4190]  }
0xf0: {  	v55 =	vld [tilespmem:$0x4090]  }
0xf1: {  	v56 =	vld [tilespmem:$0x41A0]  }
0xf2: {  	v57 =	vld [tilespmem:$0x40A0]  }
0xf3: {  	[tilespmem:$0x4000] =	vst v4;
	v4 =	vld [tilespmem:$0x41B0]  }
0xf4: {  	v58 =	vld [tilespmem:$0x41C0];
	[tilespmem:$0x4110] =	vst v5  }
0xf5: {  	v59 =	vld [tilespmem:$0x40C0];
	[tilespmem:$0x4010] =	vst v55  }
0xf6: {  	v60 =	vld [tilespmem:$0x41D0];
	[tilespmem:$0x4120] =	vst v56  }
0xf7: {  	v5 =	vld [tilespmem:$0x40B0];
	[tilespmem:$0x4020] =	vst v57  }
0xf8: {  	[tilespmem:$0x4130] =	vst v4;
	v4 =	vld [tilespmem:$0x40D0]  }
0xf9: {  	v61 =	vld [tilespmem:$0x40E0];
	[tilespmem:$0x4140] =	vst v58  }
0xfa: {  	v62 =	vld [tilespmem:$0x41F0];
	[tilespmem:$0x4040] =	vst v59  }
0xfb: {  	v63 =	vld [tilespmem:$0x40F0];
	[tilespmem:$0x4150] =	vst v60  }
0xfc: {  	[tilespmem:$0x4030] =	vst v5;
	v5 =	vld [tilespmem:$0x41E0]  }
0xfd: {  	[tilespmem:$0x4050] =	vst v4;
	v4 =	vld [tilespmem:$0x4200]  }
.Ltmp9:
0xfe: {  	[tilespmem:$0x4060] =	vst v61;
	(pc) =	sbr.rel .LBB2_9-.Ltmp9, $4  }
0xff: {  	[tilespmem:$0x4170] =	vst v62  }
0x100: {  	[tilespmem:$0x4070] =	vst v63  }
0x101: {  	[tilespmem:$0x4160] =	vst v5  }
0x102: {  	[tilespmem:$0x4180] =	vst v4  }
.LBB2_11:
0x103: {  	p0 =	sgt.s32 s28, $0x7F  }
0x104: {  	v4 =	vimm.s32 @!p0 $0x0;
	p1 =	sgt.s32 @!p0 s28, $0x6F  }
0x105: {  	[tilespmem:s28+$0x4000] =	vst @!p0 v4;
	v4 =	vimm.s32 @!p0 $0x1800;
	p1 =	por p0, p1  }
0x106: {  	[tilespmem:s28+$0x4110] =	vst @!p0 v4;
	p0 =	sgt.s32 @!p1 s28, $0x5F  }
0x107: {  	p0 =	por p1, p0  }
.Ltmp10:
0x108: {  	_ = 	snop;
	(pc) =	sbr.rel @p0 .LBB2_13-.Ltmp10, $4  }
0x109: {  	_ = 	snop  }
0x10a: {  	v4 =	vimm.s32 @!p1 $0x0  }
0x10b: {  	[tilespmem:s28+$0x4010] =	vst @!p1 v4;
	v4 =	vimm.s32 @!p1 $0x1800  }
0x10c: {  	[tilespmem:s28+$0x4120] =	vst @!p1 v4  }
0x10d: {  	p0 =	sgt.s32 s28, $0x4F  }
0x10e: {  	p1 =	sgt.s32 @!p0 s28, $0x3F  }
0x10f: {  	p2 =	por p1, p0  }
0x110: {  	p3 =	sgt.s32 @!p2 s28, $0x2F  }
0x111: {  	p4 =	por @!p0 p3, p1  }
0x112: {  	s24 =	simm.s32 @!p3 $0x0;
	p4 =	por p4, p0  }
0x113: {  	s24 =	simm.s32 @p3 $0x1;
	p5 =	sgt.s32 @!p4 s28, $0x1F  }
0x114: {  	[smem:$0x7FD] =	sst s24;
	s24 =	simm.s32 @!p5 $0x0  }
0x115: {  	s24 =	simm.s32 @p5 $0x1  }
0x116: {  	[tilespmem:s28+$0x4020] =	vst v2;
	[smem:$0x7FC] =	sst s24  }
0x117: {  	[tilespmem:s28+$0x4130] =	vst v3;
	v4 =	vimm.s32 @!p0 $0x0;
	p5 =	por @!p2 p5, p3;
	s24 =	sld [smem:$0x7FC]  }
0x118: {  	[tilespmem:s28+$0x4030] =	vst @!p0 v4;
	v4 =	vimm.s32 @!p0 $0x1800;
	s31 =	sld [smem:$0x7FD];
	p5 =	por @!p0 p5, p1  }
0x119: {  	[tilespmem:s28+$0x4140] =	vst @!p0 v4;
	v4 =	vimm.s32 @!p2 $0x0;
	p5 =	por p5, p0  }
0x11a: {  	[tilespmem:s28+$0x4040] =	vst @!p2 v4;
	v4 =	vimm.s32 @!p2 $0x1800;
	p6 =	sgt.s32 @!p5 s28, $0xF;
	p3 =	seq.s32 s24, $0x1  }
0x11b: {  	[tilespmem:s28+$0x4150] =	vst @!p2 v4;
	v4 =	vimm.s32 @!p4 $0x0;
	p6 =	por @!p4 p6, p3;
	p3 =	seq.s32 s31, $0x1  }
0x11c: {  	[tilespmem:s28+$0x4050] =	vst @!p4 v4;
	v4 =	vimm.s32 @!p4 $0x1800;
	p2 =	por @!p2 p6, p3  }
.Ltmp11:
0x11d: {  	[tilespmem:s28+$0x4160] =	vst @!p4 v4;
	v4 =	vimm.s32 @!p5 $0x0;
	p1 =	por @!p0 p2, p1;
	(pc) =	sbr.rel .LBB2_13-.Ltmp11, $4  }
0x11e: {  	[tilespmem:s28+$0x4060] =	vst @!p5 v4;
	v4 =	vimm.s32 @!p5 $0x1800;
	p0 =	por p1, p0  }
0x11f: {  	[tilespmem:s28+$0x4170] =	vst @!p5 v4;
	v4 =	vimm.s32 @!p0 $0x0  }
0x120: {  	[tilespmem:s28+$0x4070] =	vst @!p0 v4;
	v4 =	vimm.s32 @!p0 $0x1800  }
0x121: {  	[tilespmem:s28+$0x4180] =	vst @!p0 v4  }
.LBB2_14:
0x122: {  	_ =	sfence.sel $0x180000  }
0x123: {  	[bflag:$0x0] =	sbarrier.arrive $0xFFFF  }
0x124: {  	p0 =	sne.s32 s1, $0x0;
	_ =	strace $0x90000047  }
0x125: {  	s0 =	sadd.s32 @!p0 $0x100000, s0;
	[bflag:$0x2] =	sbarrier.arrive $0xFFFF  }
0x126: {  	[sflag:s0] =	ssyncadd.tile.s32 @!p0 $0x1;
	_ =	shalt  }
.Lfunc_end2:
_tile_overlayer_lowered:
.L_overlay_start_2:
0x127: {  	(tag) =	ssettag $0x2  }
0x128: {  	s0 =	rddreg [dreg:$0x0];
	s2 =	stileid.u32  }
0x129: {  	s1 =	rddreg [dreg:$0x1];
	p0 =	sne.s32 s2, $0x0  }
0x12a: {  	s3 =	rddreg [dreg:$0x2];
	[bflag:$0x3] =	sbarrier.arrive $0xFFFF;
	s2 =	simm.s32 @!p0 $0x1C02  }
0x12b: {  	[timem:s3], [sflag:s2] =	dma.local @!p0 [hbm:s0], s1  }
0x12c: {  	s0 =	simm.s32 @!p0 $0x2  }
0x12d: {  	_ =	swait.ge @!p0 [sflag:s0], s1  }
0x12e: {  	s1 =	ssub.s32 @!p0 $0x0, s1;
	[sflag:s0] =	ssyncset.done @!p0 $0x0  }
0x12f: {  	[sflag:s0] =	ssyncadd.s32 @!p0 s1  }
0x130: {  	[bflag:$0x3] =	sbarrier.arrive $0xFFFF  }
0x131: {  	_ =	shalt  }

</sc_bundles>
